<compile_context>
chip_gen: v7x
topology: tpu7x:2x2x1
jax: 0.10.2.dev20260603
libtpu: 0.0.44.dev20260713+nightly
codegen_flags: <defaults>
</compile_context>

<pallas_src>
import functools

import jax
import jax.numpy as jnp
from jax import lax
from jax.experimental import pallas as pl
from jax.experimental.pallas import tpu as pltpu
from jax.experimental.pallas import tpu_sc as plsc

BATCH = 16384
NUM_KCS = 1000
NUM_PROBLEMS = 1000000
NUM_STUDENTS = 100000
KMAIN = 999424
TAIL = NUM_PROBLEMS - KMAIN
NUM_CORES = 2
NUM_SUBCORES = 16
NW = NUM_CORES * NUM_SUBCORES
BPW = BATCH // NW
L = 16
CHUNKS = BPW // L
EPSILON = 1e-8

_MESH = dict(core_axis_name="c", subcore_axis_name="s",
             num_cores=NUM_CORES, num_subcores=NUM_SUBCORES)
_PARAMS = dict(needs_layout_passes=False, use_tc_tiling_on_sc=False)


def _sigmoid(x):
    return 1.0 / (1.0 + jnp.exp(-x))


def _body_a(pT_hbm, pF_hbm, pG_hbm, pS_hbm, th_hbm, kc_hbm, pid_hbm, sid_hbm,
            pm_hbm, pk_out,
            pT_v, pF_v, pG_v, pS_v,
            kc_v, pid_v, sid_v, pm_v,
            ti0_v, ti1_v, ti2_v, ti3_v,
            th0_v, th1_v, th2_v, th3_v,
            opk_v, sem, sem_idx, sem_rest):
    c = lax.axis_index("c")
    s = lax.axis_index("s")
    wid = s * NUM_CORES + c
    base = wid * BPW

    cp_pid = pltpu.async_copy(pid_hbm.at[pl.ds(base, BPW)], pid_v, sem_idx)
    cp_sid = pltpu.async_copy(sid_hbm.at[pl.ds(base, BPW)], sid_v, sem_idx)
    cp_kc = pltpu.async_copy(kc_hbm.at[pl.ds(base, BPW)], kc_v, sem_rest)
    cp_pT = pltpu.async_copy(pT_hbm, pT_v, sem_rest)
    cp_pF = pltpu.async_copy(pF_hbm, pF_v, sem_rest)
    cp_pG = pltpu.async_copy(pG_hbm, pG_v, sem_rest)
    cp_pS = pltpu.async_copy(pS_hbm, pS_v, sem_rest)
    cp_pid.wait()
    cp_sid.wait()

    def mkidx(i, carry):
        off = i * L
        pm_v[pl.ds(off, L)] = jnp.minimum(pid_v[pl.ds(off, L)], KMAIN - 1)
        sid = sid_v[pl.ds(off, L)]
        ti0_v[pl.ds(off, L)] = sid
        ti1_v[pl.ds(off, L)] = sid + NUM_STUDENTS
        ti2_v[pl.ds(off, L)] = sid + 2 * NUM_STUDENTS
        ti3_v[pl.ds(off, L)] = sid + 3 * NUM_STUDENTS
        return carry

    lax.fori_loop(0, CHUNKS, mkidx, 0)
    cp_pm = pltpu.async_copy(pm_v, pm_hbm.at[pl.ds(base, BPW)], sem_idx)

    cp_t0 = pltpu.async_copy(th_hbm.at[ti0_v], th0_v, sem)
    cp_t1 = pltpu.async_copy(th_hbm.at[ti1_v], th1_v, sem)
    cp_t2 = pltpu.async_copy(th_hbm.at[ti2_v], th2_v, sem)
    cp_t3 = pltpu.async_copy(th_hbm.at[ti3_v], th3_v, sem)
    cp_kc.wait()
    cp_pT.wait()
    cp_pF.wait()
    cp_pG.wait()
    cp_pS.wait()

    def step_kc(i, carry):
        off = i * L
        kc = kc_v[pl.ds(off, L)]
        opk_v[pl.ds(off, L)] = plsc.load_gather(pT_v, [kc])
        opk_v[pl.ds(BPW + off, L)] = plsc.load_gather(pF_v, [kc])
        opk_v[pl.ds(2 * BPW + off, L)] = plsc.load_gather(pG_v, [kc])
        opk_v[pl.ds(3 * BPW + off, L)] = plsc.load_gather(pS_v, [kc])
        return carry

    lax.fori_loop(0, CHUNKS, step_kc, 0)
    cp_t0.wait()
    cp_t1.wait()
    cp_t2.wait()
    cp_t3.wait()

    def step(i, carry):
        off = i * L
        opk_v[pl.ds(off, L)] = _sigmoid(
            opk_v[pl.ds(off, L)] + th0_v[pl.ds(off, L)])
        opk_v[pl.ds(BPW + off, L)] = _sigmoid(
            opk_v[pl.ds(BPW + off, L)] - th1_v[pl.ds(off, L)])
        opk_v[pl.ds(2 * BPW + off, L)] = (
            opk_v[pl.ds(2 * BPW + off, L)] + th2_v[pl.ds(off, L)])
        opk_v[pl.ds(3 * BPW + off, L)] = (
            opk_v[pl.ds(3 * BPW + off, L)] - th3_v[pl.ds(off, L)])
        return carry

    lax.fori_loop(0, CHUNKS, step, 0)

    pltpu.sync_copy(opk_v, pk_out.at[pl.ds(4 * base, 4 * BPW)])
    cp_pm.wait()


def _body_b(h_hbm, obs_hbm, om_hbm, sg_hbm, tails_hbm,
            pm_hbm, pid_hbm, pk_hbm,
            hnew_hbm, pcorr_hbm,
            pid_v, pm_v, om_v, sg_v, pk_v,
            tails_v, h_v, obs_v, hn_v, pc_v, sem, sem_idx, sem_rest):
    c = lax.axis_index("c")
    s = lax.axis_index("s")
    wid = s * NUM_CORES + c
    base = wid * BPW

    cp_pm = pltpu.async_copy(pm_hbm.at[pl.ds(base, BPW)], pm_v, sem_idx)
    cp_pid = pltpu.async_copy(pid_hbm.at[pl.ds(base, BPW)], pid_v, sem_rest)
    cp_h = pltpu.async_copy(h_hbm.at[pl.ds(2 * base, 2 * BPW)], h_v, sem_rest)
    cp_ob = pltpu.async_copy(obs_hbm.at[pl.ds(base, BPW)], obs_v, sem_rest)
    cp_pk = pltpu.async_copy(pk_hbm.at[pl.ds(4 * base, 4 * BPW)], pk_v,
                             sem_rest)
    cp_tl = pltpu.async_copy(tails_hbm, tails_v, sem_rest)
    cp_pm.wait()

    cp_om = pltpu.async_copy(om_hbm.at[pm_v], om_v, sem)
    cp_sg = pltpu.async_copy(sg_hbm.at[pm_v], sg_v, sem)
    cp_pid.wait()
    cp_h.wait()
    cp_ob.wait()
    cp_pk.wait()
    cp_tl.wait()
    cp_om.wait()
    cp_sg.wait()

    def step(i, carry):
        off = i * L
        pidc = pid_v[pl.ds(off, L)]
        in_tail = pidc >= KMAIN
        tidx = jnp.maximum(pidc - KMAIN, 0)
        om = jnp.where(in_tail, plsc.load_gather(tails_v, [tidx]),
                       om_v[pl.ds(off, L)])
        sg = jnp.where(in_tail, plsc.load_gather(tails_v, [tidx + TAIL]),
                       sg_v[pl.ds(off, L)])
        pT = pk_v[pl.ds(off, L)]
        pF = pk_v[pl.ds(BPW + off, L)]
        pG = _sigmoid(pk_v[pl.ds(2 * BPW + off, L)] + om)
        pS = _sigmoid(pk_v[pl.ds(3 * BPW + off, L)] + sg)
        hoff = (i >> 3) * 256 + (i & 7) * L
        h0 = h_v[pl.ds(hoff, L)]
        h1 = h_v[pl.ds(hoff + 128, L)]
        obs = obs_v[pl.ds(off, L)]

        obs_b = obs > 0.5
        p_m = jnp.where(obs_b, 1.0 - pS, pS)
        p_u = jnp.where(obs_b, pG, 1.0 - pG)
        a_u = p_u * h0
        a_m = p_m * h1
        nm = (1.0 - pF) * a_m + pT * a_u
        nu = pF * a_m + (1.0 - pT) * a_u
        inv = 1.0 / (nm + nu + EPSILON)
        nm = nm * inv
        nu = nu * inv
        pc = (1.0 - pS) * nm + pG * nu

        hn_v[pl.ds(hoff, L)] = nu
        hn_v[pl.ds(hoff + 128, L)] = nm
        pc_v[pl.ds(off, L)] = pc
        return carry

    lax.fori_loop(0, CHUNKS, step, 0)

    pltpu.sync_copy(hn_v, hnew_hbm.at[pl.ds(2 * base, 2 * BPW)])
    pltpu.sync_copy(pc_v, pcorr_hbm.at[pl.ds(base, BPW)])


@jax.jit
def _run(h_phys, observation, pT_logit, pF_logit, pG_logit, pS_logit,
         om_main, sg_main, tails, theta_flat, kc_ids, pid, sid):
    fa = pl.kernel(
        _body_a,
        out_type=(
            jax.ShapeDtypeStruct((BATCH,), jnp.int32),
            jax.ShapeDtypeStruct((4 * BATCH,), jnp.float32),
        ),
        mesh=plsc.VectorSubcoreMesh(**_MESH),
        scratch_types=[
            pltpu.VMEM((NUM_KCS,), jnp.float32),
            pltpu.VMEM((NUM_KCS,), jnp.float32),
            pltpu.VMEM((NUM_KCS,), jnp.float32),
            pltpu.VMEM((NUM_KCS,), jnp.float32),
            pltpu.VMEM((BPW,), jnp.int32),
            pltpu.VMEM((BPW,), jnp.int32),
            pltpu.VMEM((BPW,), jnp.int32),
            pltpu.VMEM((BPW,), jnp.int32),
            pltpu.VMEM((BPW,), jnp.int32),
            pltpu.VMEM((BPW,), jnp.int32),
            pltpu.VMEM((BPW,), jnp.int32),
            pltpu.VMEM((BPW,), jnp.int32),
            pltpu.VMEM((BPW,), jnp.float32),
            pltpu.VMEM((BPW,), jnp.float32),
            pltpu.VMEM((BPW,), jnp.float32),
            pltpu.VMEM((BPW,), jnp.float32),
            pltpu.VMEM((4 * BPW,), jnp.float32),
            pltpu.SemaphoreType.DMA,
            pltpu.SemaphoreType.DMA,
            pltpu.SemaphoreType.DMA,
        ],
        compiler_params=pltpu.CompilerParams(**_PARAMS),
        name="bkt_irt_a",
    )
    pm, pk = fa(pT_logit, pF_logit, pG_logit, pS_logit,
                theta_flat, kc_ids, pid, sid)

    fb = pl.kernel(
        _body_b,
        out_type=(
            jax.ShapeDtypeStruct((2 * BATCH,), jnp.float32),
            jax.ShapeDtypeStruct((BATCH,), jnp.float32),
        ),
        mesh=plsc.VectorSubcoreMesh(**_MESH),
        scratch_types=[
            pltpu.VMEM((BPW,), jnp.int32),
            pltpu.VMEM((BPW,), jnp.int32),
            pltpu.VMEM((BPW,), jnp.float32),
            pltpu.VMEM((BPW,), jnp.float32),
            pltpu.VMEM((4 * BPW,), jnp.float32),
            pltpu.VMEM((2 * TAIL,), jnp.float32),
            pltpu.VMEM((2 * BPW,), jnp.float32),
            pltpu.VMEM((BPW,), jnp.float32),
            pltpu.VMEM((2 * BPW,), jnp.float32),
            pltpu.VMEM((BPW,), jnp.float32),
            pltpu.SemaphoreType.DMA,
            pltpu.SemaphoreType.DMA,
            pltpu.SemaphoreType.DMA,
        ],
        compiler_params=pltpu.CompilerParams(**_PARAMS),
        name="bkt_irt_b",
    )
    return fb(h_phys, observation, om_main, sg_main, tails,
              pm, pid, pk)


def kernel(h_prev, observation, pT_logit, pF_logit, pG_logit, pS_logit,
           omega_w, sigma_w, student_ability_w, kc_ids, problem_ids,
           student_ids):
    kc = kc_ids.astype(jnp.int32)
    pid = problem_ids.astype(jnp.int32)
    sid = student_ids.astype(jnp.int32)
    om_main = omega_w[:KMAIN].reshape(-1)
    sg_main = sigma_w[:KMAIN].reshape(-1)
    tails = jnp.concatenate([omega_w[KMAIN:], sigma_w[KMAIN:]],
                            axis=0).reshape(-1)
    theta_flat = student_ability_w.T.reshape(-1)
    h_phys = h_prev.reshape(128, 128, 2).transpose(0, 2, 1).reshape(-1)
    hn_flat, p_correct = _run(
        h_phys, observation, pT_logit, pF_logit, pG_logit, pS_logit,
        om_main, sg_main, tails, theta_flat, kc, pid, sid)
    h_new = hn_flat.reshape(128, 2, 128).transpose(0, 2, 1).reshape(BATCH, 2)
    return (h_new, p_correct)

# --- scband reference (transcript-rebuilt; emitter-appended) ---
"""Pipeline reference for scband-bktrnncell-irt-14860586844435 (READ-ONLY COPY).

The authoritative reference and input builder live on the scoring server;
editing this copy changes nothing except your own understanding.
"""

import jax, jax.numpy as jnp
import numpy as np

NUM_KCS = 1000
NUM_PROBLEMS = 1000000
NUM_STUDENTS = 100000
BATCH = 16384
EPSILON = 1e-08


def setup_inputs(seed: int = 0) -> dict:
    key = jax.random.key(seed)
    ks = jax.random.split(key, 10)
    h_raw = jax.random.uniform(ks[0], (BATCH, 2), dtype=jnp.float32)
    h_prev = h_raw / jnp.sum(h_raw, axis=1, keepdims=True)
    observation = jax.random.randint(ks[1], (BATCH,), 0, 2).astype(jnp.float32)
    kc_ids = jax.random.randint(ks[2], (BATCH,), 0, NUM_KCS, dtype=jnp.int32).astype(jnp.int64)
    problem_ids = jax.random.randint(ks[3], (BATCH,), 0, NUM_PROBLEMS, dtype=jnp.int32).astype(jnp.int64)
    student_ids = jax.random.randint(ks[4], (BATCH,), 0, NUM_STUDENTS, dtype=jnp.int32).astype(jnp.int64)
    pT_logit = jnp.full((NUM_KCS,), -2.0, dtype=jnp.float32)
    pF_logit = jnp.full((NUM_KCS,), -4.0, dtype=jnp.float32)
    pG_logit = jnp.full((NUM_KCS,), -1.5, dtype=jnp.float32)
    pS_logit = jnp.full((NUM_KCS,), -1.5, dtype=jnp.float32)
    omega_w = jax.random.normal(ks[5], (NUM_PROBLEMS, 1), dtype=jnp.float32) * 0.1
    sigma_w = jax.random.normal(ks[6], (NUM_PROBLEMS, 1), dtype=jnp.float32) * 0.1
    student_ability_w = jax.random.normal(ks[7], (NUM_STUDENTS, 4), dtype=jnp.float32) * 0.5
    return {
        "h_prev": h_prev,
        "observation": observation,
        "pT_logit": pT_logit,
        "pF_logit": pF_logit,
        "pG_logit": pG_logit,
        "pS_logit": pS_logit,
        "omega_w": omega_w,
        "sigma_w": sigma_w,
        "student_ability_w": student_ability_w,
        "kc_ids": kc_ids,
        "problem_ids": problem_ids,
        "student_ids": student_ids,
    }


def reference(h_prev, observation, pT_logit, pF_logit, pG_logit, pS_logit,
              omega_w, sigma_w, student_ability_w, kc_ids, problem_ids, student_ids):
    # Gather per-KC base logits (embedding lookups on small KC table)
    pT_l = jnp.take(pT_logit, kc_ids, axis=0)
    pF_l = jnp.take(pF_logit, kc_ids, axis=0)
    pG_l = jnp.take(pG_logit, kc_ids, axis=0)
    pS_l = jnp.take(pS_logit, kc_ids, axis=0)
    # Per-problem IRT offsets (embedding lookups on 1M-row tables)
    omega_p = jnp.take(omega_w, problem_ids, axis=0)[:, 0]
    sigma_p = jnp.take(sigma_w, problem_ids, axis=0)[:, 0]
    # Multidimensional student ability (embedding lookup, dim=4)
    theta = jnp.take(student_ability_w, student_ids, axis=0)
    theta_L = theta[:, 0]
    theta_nF = theta[:, 1]
    theta_G = theta[:, 2]
    theta_nS = theta[:, 3]
    pT = jax.nn.sigmoid(pT_l + theta_L)
    pF = jax.nn.sigmoid(pF_l - theta_nF)
    pG = jax.nn.sigmoid(pG_l + omega_p + theta_G)
    pS = jax.nn.sigmoid(pS_l + sigma_p - theta_nS)
    obs_b = observation > 0.5
    p_obs_given_mastered = jnp.where(obs_b, 1.0 - pS, pS)
    p_obs_given_unmastered = jnp.where(obs_b, pG, 1.0 - pG)
    h_unmastered = h_prev[:, 0]
    h_mastered = h_prev[:, 1]
    alpha_unmastered = p_obs_given_unmastered * h_unmastered
    alpha_mastered = p_obs_given_mastered * h_mastered
    new_mastered = (1.0 - pF) * alpha_mastered + pT * alpha_unmastered
    new_unmastered = pF * alpha_mastered + (1.0 - pT) * alpha_unmastered
    normaliser = new_mastered + new_unmastered + EPSILON
    new_mastered = new_mastered / normaliser
    new_unmastered = new_unmastered / normaliser
    h_new = jnp.stack([new_unmastered, new_mastered], axis=-1)
    p_correct = (1.0 - pS) * h_new[:, 1] + pG * h_new[:, 0]
    return (h_new, p_correct)

if __name__ == "__main__":
    import jax
    _d = setup_inputs()
    print(jax.jit(kernel)(*tuple(_d.values())))

</pallas_src>

<mosaic_0001>
#map = affine_map<(d0, d1) -> (0)>
module attributes {stable_mosaic.version = 14 : i64} {
  func.func @bkt_irt_b(%arg0: i32, %arg1: i32, %arg2: memref<32768xf32, #tpu.memory_space<hbm>>, %arg3: memref<16384xf32, #tpu.memory_space<hbm>>, %arg4: memref<999424xf32, #tpu.memory_space<hbm>>, %arg5: memref<999424xf32, #tpu.memory_space<hbm>>, %arg6: memref<1152xf32, #tpu.memory_space<hbm>>, %arg7: memref<16384xi32, #tpu.memory_space<hbm>>, %arg8: memref<16384xi32, #tpu.memory_space<hbm>>, %arg9: memref<65536xf32, #tpu.memory_space<hbm>>, %arg10: memref<32768xf32, #tpu.memory_space<hbm>>, %arg11: memref<16384xf32, #tpu.memory_space<hbm>>, %arg12: memref<512xi32, #tpu.memory_space<vmem>>, %arg13: memref<512xi32, #tpu.memory_space<vmem>>, %arg14: memref<512xf32, #tpu.memory_space<vmem>>, %arg15: memref<512xf32, #tpu.memory_space<vmem>>, %arg16: memref<2048xf32, #tpu.memory_space<vmem>>, %arg17: memref<1152xf32, #tpu.memory_space<vmem>>, %arg18: memref<1024xf32, #tpu.memory_space<vmem>>, %arg19: memref<512xf32, #tpu.memory_space<vmem>>, %arg20: memref<1024xf32, #tpu.memory_space<vmem>>, %arg21: memref<512xf32, #tpu.memory_space<vmem>>, %arg22: memref<!tpu.dma_semaphore, #tpu.memory_space<semaphore_mem>>, %arg23: memref<!tpu.dma_semaphore, #tpu.memory_space<semaphore_mem>>, %arg24: memref<!tpu.dma_semaphore, #tpu.memory_space<semaphore_mem>>) attributes {dimension_semantics = [#tpu.dimension_semantics<core_parallel>, #tpu.dimension_semantics<subcore_parallel>], iteration_bounds = array<i64: 2, 16>, scalar_prefetch = 0 : i64, scratch_operands = 13 : i64, tpu.core_type = #tpu.core_type<sc_vector_subcore>, window_params = [{transform_indices = #map}, {transform_indices = #map}, {transform_indices = #map}, {transform_indices = #map}, {transform_indices = #map}, {transform_indices = #map}, {transform_indices = #map}, {transform_indices = #map}, {transform_indices = #map}, {transform_indices = #map}]} {
    %mul3A = arith.constant 2 : i32
    %mul3A_0 = arith.muli %arg1, %mul3A : i32
    %add3A = arith.addi %mul3A_0, %arg0 : i32
    %mul3A_1 = arith.constant 512 : i32
    %mul3A_2 = arith.muli %add3A, %mul3A_1 : i32
    %dma_start3A = tpu.memref_slice %arg7[%mul3A_2] : memref<16384xi32, #tpu.memory_space<hbm>> -> memref<512xi32, #tpu.memory_space<hbm>>
    %dma_start3A_3 = tpu.memref_slice %arg7[%mul3A_2] : memref<16384xi32, #tpu.memory_space<hbm>> -> memref<512xi32, #tpu.memory_space<hbm>>
    tpu.enqueue_dma source(%dma_start3A_3 : memref<512xi32, #tpu.memory_space<hbm>>) target(%arg13 : memref<512xi32, #tpu.memory_space<vmem>>) target_semaphore(%arg23 : memref<!tpu.dma_semaphore, #tpu.memory_space<semaphore_mem>>)
    %dma_start3A_4 = tpu.memref_slice %arg8[%mul3A_2] : memref<16384xi32, #tpu.memory_space<hbm>> -> memref<512xi32, #tpu.memory_space<hbm>>
    %dma_start3A_5 = tpu.memref_slice %arg8[%mul3A_2] : memref<16384xi32, #tpu.memory_space<hbm>> -> memref<512xi32, #tpu.memory_space<hbm>>
    tpu.enqueue_dma source(%dma_start3A_5 : memref<512xi32, #tpu.memory_space<hbm>>) target(%arg12 : memref<512xi32, #tpu.memory_space<vmem>>) target_semaphore(%arg24 : memref<!tpu.dma_semaphore, #tpu.memory_space<semaphore_mem>>)
    %mul3A_6 = arith.constant 2 : i32
    %mul3A_7 = arith.muli %mul3A_6, %mul3A_2 : i32
    %dma_start3A_8 = tpu.memref_slice %arg2[%mul3A_7] : memref<32768xf32, #tpu.memory_space<hbm>> -> memref<1024xf32, #tpu.memory_space<hbm>>
    %dma_start3A_9 = tpu.memref_slice %arg2[%mul3A_7] : memref<32768xf32, #tpu.memory_space<hbm>> -> memref<1024xf32, #tpu.memory_space<hbm>>
    tpu.enqueue_dma source(%dma_start3A_9 : memref<1024xf32, #tpu.memory_space<hbm>>) target(%arg18 : memref<1024xf32, #tpu.memory_space<vmem>>) target_semaphore(%arg24 : memref<!tpu.dma_semaphore, #tpu.memory_space<semaphore_mem>>)
    %dma_start3A_10 = tpu.memref_slice %arg3[%mul3A_2] : memref<16384xf32, #tpu.memory_space<hbm>> -> memref<512xf32, #tpu.memory_space<hbm>>
    %dma_start3A_11 = tpu.memref_slice %arg3[%mul3A_2] : memref<16384xf32, #tpu.memory_space<hbm>> -> memref<512xf32, #tpu.memory_space<hbm>>
    tpu.enqueue_dma source(%dma_start3A_11 : memref<512xf32, #tpu.memory_space<hbm>>) target(%arg19 : memref<512xf32, #tpu.memory_space<vmem>>) target_semaphore(%arg24 : memref<!tpu.dma_semaphore, #tpu.memory_space<semaphore_mem>>)
    %mul3A_12 = arith.constant 4 : i32
    %mul3A_13 = arith.muli %mul3A_12, %mul3A_2 : i32
    %dma_start3A_14 = tpu.memref_slice %arg9[%mul3A_13] : memref<65536xf32, #tpu.memory_space<hbm>> -> memref<2048xf32, #tpu.memory_space<hbm>>
    %dma_start3A_15 = tpu.memref_slice %arg9[%mul3A_13] : memref<65536xf32, #tpu.memory_space<hbm>> -> memref<2048xf32, #tpu.memory_space<hbm>>
    tpu.enqueue_dma source(%dma_start3A_15 : memref<2048xf32, #tpu.memory_space<hbm>>) target(%arg16 : memref<2048xf32, #tpu.memory_space<vmem>>) target_semaphore(%arg24 : memref<!tpu.dma_semaphore, #tpu.memory_space<semaphore_mem>>)
    tpu.enqueue_dma source(%arg6 : memref<1152xf32, #tpu.memory_space<hbm>>) target(%arg17 : memref<1152xf32, #tpu.memory_space<vmem>>) target_semaphore(%arg24 : memref<!tpu.dma_semaphore, #tpu.memory_space<semaphore_mem>>)
    %dma_wait3A = tpu.memref_slice %arg7[%mul3A_2] : memref<16384xi32, #tpu.memory_space<hbm>> -> memref<512xi32, #tpu.memory_space<hbm>>
    %dma_wait3A_16 = tpu.memref_slice %arg7[%mul3A_2] : memref<16384xi32, #tpu.memory_space<hbm>> -> memref<512xi32, #tpu.memory_space<hbm>>
    tpu.wait_dma2 semaphore(%arg23 : memref<!tpu.dma_semaphore, #tpu.memory_space<semaphore_mem>>) src(%dma_wait3A_16 : memref<512xi32, #tpu.memory_space<hbm>>) dst(%arg13 : memref<512xi32, #tpu.memory_space<vmem>>)
    %dma_start3A_17 = arith.constant 0 : i32
    %dma_start3A_18 = tpu.memref_slice %arg4[%dma_start3A_17] : memref<999424xf32, #tpu.memory_space<hbm>> -> memref<999424xf32, #tpu.memory_space<hbm>>
    tpu.enqueue_indirect_dma source(%dma_start3A_18 : memref<999424xf32, #tpu.memory_space<hbm>>) target(%arg14 : memref<512xf32, #tpu.memory_space<vmem>>) offsets(%arg13 : memref<512xi32, #tpu.memory_space<vmem>>) semaphore(%arg22 : memref<!tpu.dma_semaphore, #tpu.memory_space<semaphore_mem>>)
    %dma_start3A_19 = arith.constant 0 : i32
    %dma_start3A_20 = tpu.memref_slice %arg5[%dma_start3A_19] : memref<999424xf32, #tpu.memory_space<hbm>> -> memref<999424xf32, #tpu.memory_space<hbm>>
    tpu.enqueue_indirect_dma source(%dma_start3A_20 : memref<999424xf32, #tpu.memory_space<hbm>>) target(%arg15 : memref<512xf32, #tpu.memory_space<vmem>>) offsets(%arg13 : memref<512xi32, #tpu.memory_space<vmem>>) semaphore(%arg22 : memref<!tpu.dma_semaphore, #tpu.memory_space<semaphore_mem>>)
    %dma_wait3A_21 = tpu.memref_slice %arg8[%mul3A_2] : memref<16384xi32, #tpu.memory_space<hbm>> -> memref<512xi32, #tpu.memory_space<hbm>>
    %dma_wait3A_22 = tpu.memref_slice %arg8[%mul3A_2] : memref<16384xi32, #tpu.memory_space<hbm>> -> memref<512xi32, #tpu.memory_space<hbm>>
    tpu.wait_dma2 semaphore(%arg24 : memref<!tpu.dma_semaphore, #tpu.memory_space<semaphore_mem>>) src(%dma_wait3A_22 : memref<512xi32, #tpu.memory_space<hbm>>) dst(%arg12 : memref<512xi32, #tpu.memory_space<vmem>>)
    %dma_wait3A_23 = tpu.memref_slice %arg2[%mul3A_7] : memref<32768xf32, #tpu.memory_space<hbm>> -> memref<1024xf32, #tpu.memory_space<hbm>>
    %dma_wait3A_24 = tpu.memref_slice %arg2[%mul3A_7] : memref<32768xf32, #tpu.memory_space<hbm>> -> memref<1024xf32, #tpu.memory_space<hbm>>
    tpu.wait_dma2 semaphore(%arg24 : memref<!tpu.dma_semaphore, #tpu.memory_space<semaphore_mem>>) src(%dma_wait3A_24 : memref<1024xf32, #tpu.memory_space<hbm>>) dst(%arg18 : memref<1024xf32, #tpu.memory_space<vmem>>)
    %dma_wait3A_25 = tpu.memref_slice %arg3[%mul3A_2] : memref<16384xf32, #tpu.memory_space<hbm>> -> memref<512xf32, #tpu.memory_space<hbm>>
    %dma_wait3A_26 = tpu.memref_slice %arg3[%mul3A_2] : memref<16384xf32, #tpu.memory_space<hbm>> -> memref<512xf32, #tpu.memory_space<hbm>>
    tpu.wait_dma2 semaphore(%arg24 : memref<!tpu.dma_semaphore, #tpu.memory_space<semaphore_mem>>) src(%dma_wait3A_26 : memref<512xf32, #tpu.memory_space<hbm>>) dst(%arg19 : memref<512xf32, #tpu.memory_space<vmem>>)
    %dma_wait3A_27 = tpu.memref_slice %arg9[%mul3A_13] : memref<65536xf32, #tpu.memory_space<hbm>> -> memref<2048xf32, #tpu.memory_space<hbm>>
    %dma_wait3A_28 = tpu.memref_slice %arg9[%mul3A_13] : memref<65536xf32, #tpu.memory_space<hbm>> -> memref<2048xf32, #tpu.memory_space<hbm>>
    tpu.wait_dma2 semaphore(%arg24 : memref<!tpu.dma_semaphore, #tpu.memory_space<semaphore_mem>>) src(%dma_wait3A_28 : memref<2048xf32, #tpu.memory_space<hbm>>) dst(%arg16 : memref<2048xf32, #tpu.memory_space<vmem>>)
    tpu.wait_dma2 semaphore(%arg24 : memref<!tpu.dma_semaphore, #tpu.memory_space<semaphore_mem>>) src(%arg6 : memref<1152xf32, #tpu.memory_space<hbm>>) dst(%arg17 : memref<1152xf32, #tpu.memory_space<vmem>>)
    %dma_wait3A_29 = arith.constant 0 : i32
    %dma_wait3A_30 = tpu.memref_slice %arg4[%dma_wait3A_29] : memref<999424xf32, #tpu.memory_space<hbm>> -> memref<999424xf32, #tpu.memory_space<hbm>>
    tpu.wait_indirect_dma semaphore(%arg22 : memref<!tpu.dma_semaphore, #tpu.memory_space<semaphore_mem>>) src(%dma_wait3A_30 : memref<999424xf32, #tpu.memory_space<hbm>>) dst(%arg14 : memref<512xf32, #tpu.memory_space<vmem>>)
    %dma_wait3A_31 = arith.constant 0 : i32
    %dma_wait3A_32 = tpu.memref_slice %arg5[%dma_wait3A_31] : memref<999424xf32, #tpu.memory_space<hbm>> -> memref<999424xf32, #tpu.memory_space<hbm>>
    tpu.wait_indirect_dma semaphore(%arg22 : memref<!tpu.dma_semaphore, #tpu.memory_space<semaphore_mem>>) src(%dma_wait3A_32 : memref<999424xf32, #tpu.memory_space<hbm>>) dst(%arg15 : memref<512xf32, #tpu.memory_space<vmem>>)
    %scan3A = arith.constant 0 : i32
    %scan3A_33 = arith.constant 0 : i32
    %scan3A_34 = arith.constant 32 : i32
    %scan3A_35 = arith.addi %scan3A_33, %scan3A_34 : i32
    %scan3A_36 = arith.constant 1 : i32
    scf.for %scan3A_40 = %scan3A_33 to %scan3A_35 step %scan3A_36  : i32 {
      %mul3A_41 = arith.constant 16 : i32
      %mul3A_42 = arith.muli %scan3A_40, %mul3A_41 : i32
      %get3A = arith.index_cast %mul3A_42 : i32 to index
      %get3A_43 = tpu.vector_load %arg12[%get3A] {strides = array<i32>} : memref<512xi32, #tpu.memory_space<vmem>>, vector<16xi32>,
      %ge3A = arith.constant 999424 : i32
      %ge3A_44 = vector.broadcast %ge3A : i32 to vector<16xi32>
      %ge3A_45 = arith.cmpi sge, %get3A_43, %ge3A_44 : vector<16xi32>
      %sub3A = arith.constant 999424 : i32
      %sub3A_46 = vector.broadcast %sub3A : i32 to vector<16xi32>
      %sub3A_47 = arith.subi %get3A_43, %sub3A_46 : vector<16xi32>
      %max3A = arith.constant 0 : i32
      %max3A_48 = vector.broadcast %max3A : i32 to vector<16xi32>
      %max3A_49 = arith.maxsi %sub3A_47, %max3A_48 : vector<16xi32>
      %gather3A = tpu.vector_load_idx %arg17[%max3A_49] : memref<1152xf32, #tpu.memory_space<vmem>>[vector<16xi32>], vector<16xf32>,
      %get3A_50 = arith.index_cast %mul3A_42 : i32 to index
      %get3A_51 = tpu.vector_load %arg14[%get3A_50] {strides = array<i32>} : memref<512xf32, #tpu.memory_space<vmem>>, vector<16xf32>,
      %select_n3A = arith.select %ge3A_45, %gather3A, %get3A_51 : vector<16xi1>, vector<16xf32>
      %add3A_52 = arith.constant 576 : i32
      %add3A_53 = vector.broadcast %add3A_52 : i32 to vector<16xi32>
      %add3A_54 = arith.addi %max3A_49, %add3A_53 : vector<16xi32>
      %gather3A_55 = tpu.vector_load_idx %arg17[%add3A_54] : memref<1152xf32, #tpu.memory_space<vmem>>[vector<16xi32>], vector<16xf32>,
      %get3A_56 = arith.index_cast %mul3A_42 : i32 to index
      %get3A_57 = tpu.vector_load %arg15[%get3A_56] {strides = array<i32>} : memref<512xf32, #tpu.memory_space<vmem>>, vector<16xf32>,
      %select_n3A_58 = arith.select %ge3A_45, %gather3A_55, %get3A_57 : vector<16xi1>, vector<16xf32>
      %get3A_59 = arith.index_cast %mul3A_42 : i32 to index
      %get3A_60 = tpu.vector_load %arg16[%get3A_59] {strides = array<i32>} : memref<2048xf32, #tpu.memory_space<vmem>>, vector<16xf32>,
      %add3A_61 = arith.constant 512 : i32
      %add3A_62 = arith.addi %add3A_61, %mul3A_42 : i32
      %get3A_63 = arith.index_cast %add3A_62 : i32 to index
      %get3A_64 = tpu.vector_load %arg16[%get3A_63] {strides = array<i32>} : memref<2048xf32, #tpu.memory_space<vmem>>, vector<16xf32>,
      %add3A_65 = arith.constant 1024 : i32
      %add3A_66 = arith.addi %add3A_65, %mul3A_42 : i32
      %get3A_67 = arith.index_cast %add3A_66 : i32 to index
      %get3A_68 = tpu.vector_load %arg16[%get3A_67] {strides = array<i32>} : memref<2048xf32, #tpu.memory_space<vmem>>, vector<16xf32>,
      %add3A_69 = arith.addf %get3A_68, %select_n3A : vector<16xf32>
      %neg3A = arith.constant 0.000000e+00 : f32
      %neg3A_70 = vector.broadcast %neg3A : f32 to vector<16xf32>
      %neg3A_71 = arith.subf %neg3A_70, %add3A_69 : vector<16xf32>
      %exp3A = math.exp %neg3A_71 : vector<16xf32>
      %add3A_72 = arith.constant 1.000000e+00 : f32
      %add3A_73 = vector.broadcast %add3A_72 : f32 to vector<16xf32>
      %add3A_74 = arith.addf %add3A_73, %exp3A : vector<16xf32>
      %div3A = arith.constant 1.000000e+00 : f32
      %div3A_75 = vector.broadcast %div3A : f32 to vector<16xf32>
      %div3A_76 = arith.divf %div3A_75, %add3A_74 : vector<16xf32>
      %add3A_77 = arith.constant 1536 : i32
      %add3A_78 = arith.addi %add3A_77, %mul3A_42 : i32
      %get3A_79 = arith.index_cast %add3A_78 : i32 to index
      %get3A_80 = tpu.vector_load %arg16[%get3A_79] {strides = array<i32>} : memref<2048xf32, #tpu.memory_space<vmem>>, vector<16xf32>,
      %add3A_81 = arith.addf %get3A_80, %select_n3A_58 : vector<16xf32>
      %neg3A_82 = arith.constant 0.000000e+00 : f32
      %neg3A_83 = vector.broadcast %neg3A_82 : f32 to vector<16xf32>
      %neg3A_84 = arith.subf %neg3A_83, %add3A_81 : vector<16xf32>
      %exp3A_85 = math.exp %neg3A_84 : vector<16xf32>
      %add3A_86 = arith.constant 1.000000e+00 : f32
      %add3A_87 = vector.broadcast %add3A_86 : f32 to vector<16xf32>
      %add3A_88 = arith.addf %add3A_87, %exp3A_85 : vector<16xf32>
      %div3A_89 = arith.constant 1.000000e+00 : f32
      %div3A_90 = vector.broadcast %div3A_89 : f32 to vector<16xf32>
      %div3A_91 = arith.divf %div3A_90, %add3A_88 : vector<16xf32>
      %shift_right_arithmetic3A = arith.constant 3 : i32
      %shift_right_arithmetic3A_92 = arith.shrsi %scan3A_40, %shift_right_arithmetic3A : i32
      %mul3A_93 = arith.constant 256 : i32
      %mul3A_94 = arith.muli %shift_right_arithmetic3A_92, %mul3A_93 : i32
      %and3A = arith.constant 7 : i32
      %and3A_95 = arith.andi %scan3A_40, %and3A : i32
      %mul3A_96 = arith.constant 16 : i32
      %mul3A_97 = arith.muli %and3A_95, %mul3A_96 : i32
      %add3A_98 = arith.addi %mul3A_94, %mul3A_97 : i32
      %get3A_99 = arith.index_cast %add3A_98 : i32 to index
      %get3A_100 = tpu.vector_load %arg18[%get3A_99] {strides = array<i32>} : memref<1024xf32, #tpu.memory_space<vmem>>, vector<16xf32>,
      %add3A_101 = arith.constant 128 : i32
      %add3A_102 = arith.addi %add3A_98, %add3A_101 : i32
      %get3A_103 = arith.index_cast %add3A_102 : i32 to index
      %get3A_104 = tpu.vector_load %arg18[%get3A_103] {strides = array<i32>} : memref<1024xf32, #tpu.memory_space<vmem>>, vector<16xf32>,
      %get3A_105 = arith.index_cast %mul3A_42 : i32 to index
      %get3A_106 = tpu.vector_load %arg19[%get3A_105] {strides = array<i32>} : memref<512xf32, #tpu.memory_space<vmem>>, vector<16xf32>,
      %gt3A = arith.constant 5.000000e-01 : f32
      %gt3A_107 = vector.broadcast %gt3A : f32 to vector<16xf32>
      %gt3A_108 = arith.cmpf ogt, %get3A_106, %gt3A_107 : vector<16xf32>
      %sub3A_109 = arith.constant 1.000000e+00 : f32
      %sub3A_110 = vector.broadcast %sub3A_109 : f32 to vector<16xf32>
      %sub3A_111 = arith.subf %sub3A_110, %div3A_91 : vector<16xf32>
      %select_n3A_112 = arith.select %gt3A_108, %sub3A_111, %div3A_91 : vector<16xi1>, vector<16xf32>
      %sub3A_113 = arith.constant 1.000000e+00 : f32
      %sub3A_114 = vector.broadcast %sub3A_113 : f32 to vector<16xf32>
      %sub3A_115 = arith.subf %sub3A_114, %div3A_76 : vector<16xf32>
      %select_n3A_116 = arith.select %gt3A_108, %div3A_76, %sub3A_115 : vector<16xi1>, vector<16xf32>
      %mul3A_117 = arith.mulf %select_n3A_116, %get3A_100 : vector<16xf32>
      %mul3A_118 = arith.mulf %select_n3A_112, %get3A_104 : vector<16xf32>
      %sub3A_119 = arith.constant 1.000000e+00 : f32
      %sub3A_120 = vector.broadcast %sub3A_119 : f32 to vector<16xf32>
      %sub3A_121 = arith.subf %sub3A_120, %get3A_64 : vector<16xf32>
      %mul3A_122 = arith.mulf %sub3A_121, %mul3A_118 : vector<16xf32>
      %mul3A_123 = arith.mulf %get3A_60, %mul3A_117 : vector<16xf32>
      %add3A_124 = arith.addf %mul3A_122, %mul3A_123 : vector<16xf32>
      %mul3A_125 = arith.mulf %get3A_64, %mul3A_118 : vector<16xf32>
      %sub3A_126 = arith.constant 1.000000e+00 : f32
      %sub3A_127 = vector.broadcast %sub3A_126 : f32 to vector<16xf32>
      %sub3A_128 = arith.subf %sub3A_127, %get3A_60 : vector<16xf32>
      %mul3A_129 = arith.mulf %sub3A_128, %mul3A_117 : vector<16xf32>
      %add3A_130 = arith.addf %mul3A_125, %mul3A_129 : vector<16xf32>
      %add3A_131 = arith.addf %add3A_124, %add3A_130 : vector<16xf32>
      %add3A_132 = arith.constant 9.99999993E-9 : f32
      %add3A_133 = vector.broadcast %add3A_132 : f32 to vector<16xf32>
      %add3A_134 = arith.addf %add3A_131, %add3A_133 : vector<16xf32>
      %div3A_135 = arith.constant 1.000000e+00 : f32
      %div3A_136 = vector.broadcast %div3A_135 : f32 to vector<16xf32>
      %div3A_137 = arith.divf %div3A_136, %add3A_134 : vector<16xf32>
      %mul3A_138 = arith.mulf %add3A_124, %div3A_137 : vector<16xf32>
      %mul3A_139 = arith.mulf %add3A_130, %div3A_137 : vector<16xf32>
      %sub3A_140 = arith.constant 1.000000e+00 : f32
      %sub3A_141 = vector.broadcast %sub3A_140 : f32 to vector<16xf32>
      %sub3A_142 = arith.subf %sub3A_141, %div3A_91 : vector<16xf32>
      %mul3A_143 = arith.mulf %sub3A_142, %mul3A_138 : vector<16xf32>
      %mul3A_144 = arith.mulf %div3A_76, %mul3A_139 : vector<16xf32>
      %add3A_145 = arith.addf %mul3A_143, %mul3A_144 : vector<16xf32>
      %swap3A = arith.index_cast %add3A_98 : i32 to index
      %swap3A_146 = tpu.vector_load %arg20[%swap3A] {strides = array<i32>} : memref<1024xf32, #tpu.memory_space<vmem>>, vector<16xf32>,
      tpu.vector_store %arg20[%swap3A], %mul3A_139 {strides = array<i32>} : memref<1024xf32, #tpu.memory_space<vmem>>, vector<16xf32>,
      %add3A_147 = arith.constant 128 : i32
      %add3A_148 = arith.addi %add3A_98, %add3A_147 : i32
      %swap3A_149 = arith.index_cast %add3A_148 : i32 to index
      %swap3A_150 = tpu.vector_load %arg20[%swap3A_149] {strides = array<i32>} : memref<1024xf32, #tpu.memory_space<vmem>>, vector<16xf32>,
      tpu.vector_store %arg20[%swap3A_149], %mul3A_138 {strides = array<i32>} : memref<1024xf32, #tpu.memory_space<vmem>>, vector<16xf32>,
      %swap3A_151 = arith.index_cast %mul3A_42 : i32 to index
      %swap3A_152 = tpu.vector_load %arg21[%swap3A_151] {strides = array<i32>} : memref<512xf32, #tpu.memory_space<vmem>>, vector<16xf32>,
      tpu.vector_store %arg21[%swap3A_151], %add3A_145 {strides = array<i32>} : memref<512xf32, #tpu.memory_space<vmem>>, vector<16xf32>,
    }
    %scan3A_37 = arith.constant 32 : i32
    %mul3A_38 = arith.constant 2 : i32
    %mul3A_39 = arith.muli %mul3A_38, %mul3A_2 : i32
    "tpu.region"() ({
      %run_scoped3A = tpu.sem_alloc : memref<!tpu.dma_semaphore, #tpu.memory_space<semaphore_mem>>
      %dma_start3A_40 = tpu.memref_slice %arg10[%mul3A_39] : memref<32768xf32, #tpu.memory_space<hbm>> -> memref<1024xf32, #tpu.memory_space<hbm>>
      %dma_start3A_41 = tpu.memref_slice %arg10[%mul3A_39] : memref<32768xf32, #tpu.memory_space<hbm>> -> memref<1024xf32, #tpu.memory_space<hbm>>
      tpu.enqueue_dma source(%arg20 : memref<1024xf32, #tpu.memory_space<vmem>>) target(%dma_start3A_41 : memref<1024xf32, #tpu.memory_space<hbm>>) target_semaphore(%run_scoped3A : memref<!tpu.dma_semaphore, #tpu.memory_space<semaphore_mem>>)
      %dma_wait3A_42 = tpu.memref_slice %arg10[%mul3A_39] : memref<32768xf32, #tpu.memory_space<hbm>> -> memref<1024xf32, #tpu.memory_space<hbm>>
      %dma_wait3A_43 = tpu.memref_slice %arg10[%mul3A_39] : memref<32768xf32, #tpu.memory_space<hbm>> -> memref<1024xf32, #tpu.memory_space<hbm>>
      tpu.wait_dma2 semaphore(%run_scoped3A : memref<!tpu.dma_semaphore, #tpu.memory_space<semaphore_mem>>) src(%arg20 : memref<1024xf32, #tpu.memory_space<vmem>>) dst(%dma_wait3A_43 : memref<1024xf32, #tpu.memory_space<hbm>>)
      tpu.yield
    }) : () -> ()
    "tpu.region"() ({
      %run_scoped3A = tpu.sem_alloc : memref<!tpu.dma_semaphore, #tpu.memory_space<semaphore_mem>>
      %dma_start3A_40 = tpu.memref_slice %arg11[%mul3A_2] : memref<16384xf32, #tpu.memory_space<hbm>> -> memref<512xf32, #tpu.memory_space<hbm>>
      %dma_start3A_41 = tpu.memref_slice %arg11[%mul3A_2] : memref<16384xf32, #tpu.memory_space<hbm>> -> memref<512xf32, #tpu.memory_space<hbm>>
      tpu.enqueue_dma source(%arg21 : memref<512xf32, #tpu.memory_space<vmem>>) target(%dma_start3A_41 : memref<512xf32, #tpu.memory_space<hbm>>) target_semaphore(%run_scoped3A : memref<!tpu.dma_semaphore, #tpu.memory_space<semaphore_mem>>)
      %dma_wait3A_42 = tpu.memref_slice %arg11[%mul3A_2] : memref<16384xf32, #tpu.memory_space<hbm>> -> memref<512xf32, #tpu.memory_space<hbm>>
      %dma_wait3A_43 = tpu.memref_slice %arg11[%mul3A_2] : memref<16384xf32, #tpu.memory_space<hbm>> -> memref<512xf32, #tpu.memory_space<hbm>>
      tpu.wait_dma2 semaphore(%run_scoped3A : memref<!tpu.dma_semaphore, #tpu.memory_space<semaphore_mem>>) src(%arg21 : memref<512xf32, #tpu.memory_space<vmem>>) dst(%dma_wait3A_43 : memref<512xf32, #tpu.memory_space<hbm>>)
      tpu.yield
    }) : () -> ()
    return
  }
}

#map = affine_map<(d0, d1) -> (0)>
module attributes {stable_mosaic.version = 14 : i64} {
  func.func @bkt_irt_a(%arg0: i32, %arg1: i32, %arg2: memref<1000xf32, #tpu.memory_space<hbm>>, %arg3: memref<1000xf32, #tpu.memory_space<hbm>>, %arg4: memref<1000xf32, #tpu.memory_space<hbm>>, %arg5: memref<1000xf32, #tpu.memory_space<hbm>>, %arg6: memref<400000xf32, #tpu.memory_space<hbm>>, %arg7: memref<16384xi32, #tpu.memory_space<hbm>>, %arg8: memref<16384xi32, #tpu.memory_space<hbm>>, %arg9: memref<16384xi32, #tpu.memory_space<hbm>>, %arg10: memref<16384xi32, #tpu.memory_space<hbm>>, %arg11: memref<65536xf32, #tpu.memory_space<hbm>>, %arg12: memref<1000xf32, #tpu.memory_space<vmem>>, %arg13: memref<1000xf32, #tpu.memory_space<vmem>>, %arg14: memref<1000xf32, #tpu.memory_space<vmem>>, %arg15: memref<1000xf32, #tpu.memory_space<vmem>>, %arg16: memref<512xi32, #tpu.memory_space<vmem>>, %arg17: memref<512xi32, #tpu.memory_space<vmem>>, %arg18: memref<512xi32, #tpu.memory_space<vmem>>, %arg19: memref<512xi32, #tpu.memory_space<vmem>>, %arg20: memref<512xi32, #tpu.memory_space<vmem>>, %arg21: memref<512xi32, #tpu.memory_space<vmem>>, %arg22: memref<512xi32, #tpu.memory_space<vmem>>, %arg23: memref<512xi32, #tpu.memory_space<vmem>>, %arg24: memref<512xf32, #tpu.memory_space<vmem>>, %arg25: memref<512xf32, #tpu.memory_space<vmem>>, %arg26: memref<512xf32, #tpu.memory_space<vmem>>, %arg27: memref<512xf32, #tpu.memory_space<vmem>>, %arg28: memref<2048xf32, #tpu.memory_space<vmem>>, %arg29: memref<!tpu.dma_semaphore, #tpu.memory_space<semaphore_mem>>, %arg30: memref<!tpu.dma_semaphore, #tpu.memory_space<semaphore_mem>>, %arg31: memref<!tpu.dma_semaphore, #tpu.memory_space<semaphore_mem>>) attributes {dimension_semantics = [#tpu.dimension_semantics<core_parallel>, #tpu.dimension_semantics<subcore_parallel>], iteration_bounds = array<i64: 2, 16>, scalar_prefetch = 0 : i64, scratch_operands = 20 : i64, tpu.core_type = #tpu.core_type<sc_vector_subcore>, window_params = [{transform_indices = #map}, {transform_indices = #map}, {transform_indices = #map}, {transform_indices = #map}, {transform_indices = #map}, {transform_indices = #map}, {transform_indices = #map}, {transform_indices = #map}, {transform_indices = #map}, {transform_indices = #map}]} {
    %mul3A = arith.constant 2 : i32
    %mul3A_0 = arith.muli %arg1, %mul3A : i32
    %add3A = arith.addi %mul3A_0, %arg0 : i32
    %mul3A_1 = arith.constant 512 : i32
    %mul3A_2 = arith.muli %add3A, %mul3A_1 : i32
    %dma_start3A = tpu.memref_slice %arg8[%mul3A_2] : memref<16384xi32, #tpu.memory_space<hbm>> -> memref<512xi32, #tpu.memory_space<hbm>>
    %dma_start3A_3 = tpu.memref_slice %arg8[%mul3A_2] : memref<16384xi32, #tpu.memory_space<hbm>> -> memref<512xi32, #tpu.memory_space<hbm>>
    tpu.enqueue_dma source(%dma_start3A_3 : memref<512xi32, #tpu.memory_space<hbm>>) target(%arg17 : memref<512xi32, #tpu.memory_space<vmem>>) target_semaphore(%arg30 : memref<!tpu.dma_semaphore, #tpu.memory_space<semaphore_mem>>)
    %dma_start3A_4 = tpu.memref_slice %arg9[%mul3A_2] : memref<16384xi32, #tpu.memory_space<hbm>> -> memref<512xi32, #tpu.memory_space<hbm>>
    %dma_start3A_5 = tpu.memref_slice %arg9[%mul3A_2] : memref<16384xi32, #tpu.memory_space<hbm>> -> memref<512xi32, #tpu.memory_space<hbm>>
    tpu.enqueue_dma source(%dma_start3A_5 : memref<512xi32, #tpu.memory_space<hbm>>) target(%arg18 : memref<512xi32, #tpu.memory_space<vmem>>) target_semaphore(%arg30 : memref<!tpu.dma_semaphore, #tpu.memory_space<semaphore_mem>>)
    %dma_start3A_6 = tpu.memref_slice %arg7[%mul3A_2] : memref<16384xi32, #tpu.memory_space<hbm>> -> memref<512xi32, #tpu.memory_space<hbm>>
    %dma_start3A_7 = tpu.memref_slice %arg7[%mul3A_2] : memref<16384xi32, #tpu.memory_space<hbm>> -> memref<512xi32, #tpu.memory_space<hbm>>
    tpu.enqueue_dma source(%dma_start3A_7 : memref<512xi32, #tpu.memory_space<hbm>>) target(%arg16 : memref<512xi32, #tpu.memory_space<vmem>>) target_semaphore(%arg31 : memref<!tpu.dma_semaphore, #tpu.memory_space<semaphore_mem>>)
    tpu.enqueue_dma source(%arg2 : memref<1000xf32, #tpu.memory_space<hbm>>) target(%arg12 : memref<1000xf32, #tpu.memory_space<vmem>>) target_semaphore(%arg31 : memref<!tpu.dma_semaphore, #tpu.memory_space<semaphore_mem>>)
    tpu.enqueue_dma source(%arg3 : memref<1000xf32, #tpu.memory_space<hbm>>) target(%arg13 : memref<1000xf32, #tpu.memory_space<vmem>>) target_semaphore(%arg31 : memref<!tpu.dma_semaphore, #tpu.memory_space<semaphore_mem>>)
    tpu.enqueue_dma source(%arg4 : memref<1000xf32, #tpu.memory_space<hbm>>) target(%arg14 : memref<1000xf32, #tpu.memory_space<vmem>>) target_semaphore(%arg31 : memref<!tpu.dma_semaphore, #tpu.memory_space<semaphore_mem>>)
    tpu.enqueue_dma source(%arg5 : memref<1000xf32, #tpu.memory_space<hbm>>) target(%arg15 : memref<1000xf32, #tpu.memory_space<vmem>>) target_semaphore(%arg31 : memref<!tpu.dma_semaphore, #tpu.memory_space<semaphore_mem>>)
    %dma_wait3A = tpu.memref_slice %arg8[%mul3A_2] : memref<16384xi32, #tpu.memory_space<hbm>> -> memref<512xi32, #tpu.memory_space<hbm>>
    %dma_wait3A_8 = tpu.memref_slice %arg8[%mul3A_2] : memref<16384xi32, #tpu.memory_space<hbm>> -> memref<512xi32, #tpu.memory_space<hbm>>
    tpu.wait_dma2 semaphore(%arg30 : memref<!tpu.dma_semaphore, #tpu.memory_space<semaphore_mem>>) src(%dma_wait3A_8 : memref<512xi32, #tpu.memory_space<hbm>>) dst(%arg17 : memref<512xi32, #tpu.memory_space<vmem>>)
    %dma_wait3A_9 = tpu.memref_slice %arg9[%mul3A_2] : memref<16384xi32, #tpu.memory_space<hbm>> -> memref<512xi32, #tpu.memory_space<hbm>>
    %dma_wait3A_10 = tpu.memref_slice %arg9[%mul3A_2] : memref<16384xi32, #tpu.memory_space<hbm>> -> memref<512xi32, #tpu.memory_space<hbm>>
    tpu.wait_dma2 semaphore(%arg30 : memref<!tpu.dma_semaphore, #tpu.memory_space<semaphore_mem>>) src(%dma_wait3A_10 : memref<512xi32, #tpu.memory_space<hbm>>) dst(%arg18 : memref<512xi32, #tpu.memory_space<vmem>>)
    %scan3A = arith.constant 0 : i32
    %scan3A_11 = arith.constant 0 : i32
    %scan3A_12 = arith.constant 32 : i32
    %scan3A_13 = arith.addi %scan3A_11, %scan3A_12 : i32
    %scan3A_14 = arith.constant 1 : i32
    scf.for %scan3A_52 = %scan3A_11 to %scan3A_13 step %scan3A_14  : i32 {
      %mul3A_53 = arith.constant 16 : i32
      %mul3A_54 = arith.muli %scan3A_52, %mul3A_53 : i32
      %get3A = arith.index_cast %mul3A_54 : i32 to index
      %get3A_55 = tpu.vector_load %arg17[%get3A] {strides = array<i32>} : memref<512xi32, #tpu.memory_space<vmem>>, vector<16xi32>,
      %min3A = arith.constant 999423 : i32
      %min3A_56 = vector.broadcast %min3A : i32 to vector<16xi32>
      %min3A_57 = arith.minsi %get3A_55, %min3A_56 : vector<16xi32>
      %swap3A = arith.index_cast %mul3A_54 : i32 to index
      %swap3A_58 = tpu.vector_load %arg19[%swap3A] {strides = array<i32>} : memref<512xi32, #tpu.memory_space<vmem>>, vector<16xi32>,
      tpu.vector_store %arg19[%swap3A], %min3A_57 {strides = array<i32>} : memref<512xi32, #tpu.memory_space<vmem>>, vector<16xi32>,
      %get3A_59 = arith.index_cast %mul3A_54 : i32 to index
      %get3A_60 = tpu.vector_load %arg18[%get3A_59] {strides = array<i32>} : memref<512xi32, #tpu.memory_space<vmem>>, vector<16xi32>,
      %swap3A_61 = arith.index_cast %mul3A_54 : i32 to index
      %swap3A_62 = tpu.vector_load %arg20[%swap3A_61] {strides = array<i32>} : memref<512xi32, #tpu.memory_space<vmem>>, vector<16xi32>,
      tpu.vector_store %arg20[%swap3A_61], %get3A_60 {strides = array<i32>} : memref<512xi32, #tpu.memory_space<vmem>>, vector<16xi32>,
      %add3A_63 = arith.constant 100000 : i32
      %add3A_64 = vector.broadcast %add3A_63 : i32 to vector<16xi32>
      %add3A_65 = arith.addi %get3A_60, %add3A_64 : vector<16xi32>
      %swap3A_66 = arith.index_cast %mul3A_54 : i32 to index
      %swap3A_67 = tpu.vector_load %arg21[%swap3A_66] {strides = array<i32>} : memref<512xi32, #tpu.memory_space<vmem>>, vector<16xi32>,
      tpu.vector_store %arg21[%swap3A_66], %add3A_65 {strides = array<i32>} : memref<512xi32, #tpu.memory_space<vmem>>, vector<16xi32>,
      %add3A_68 = arith.constant 200000 : i32
      %add3A_69 = vector.broadcast %add3A_68 : i32 to vector<16xi32>
      %add3A_70 = arith.addi %get3A_60, %add3A_69 : vector<16xi32>
      %swap3A_71 = arith.index_cast %mul3A_54 : i32 to index
      %swap3A_72 = tpu.vector_load %arg22[%swap3A_71] {strides = array<i32>} : memref<512xi32, #tpu.memory_space<vmem>>, vector<16xi32>,
      tpu.vector_store %arg22[%swap3A_71], %add3A_70 {strides = array<i32>} : memref<512xi32, #tpu.memory_space<vmem>>, vector<16xi32>,
      %add3A_73 = arith.constant 300000 : i32
      %add3A_74 = vector.broadcast %add3A_73 : i32 to vector<16xi32>
      %add3A_75 = arith.addi %get3A_60, %add3A_74 : vector<16xi32>
      %swap3A_76 = arith.index_cast %mul3A_54 : i32 to index
      %swap3A_77 = tpu.vector_load %arg23[%swap3A_76] {strides = array<i32>} : memref<512xi32, #tpu.memory_space<vmem>>, vector<16xi32>,
      tpu.vector_store %arg23[%swap3A_76], %add3A_75 {strides = array<i32>} : memref<512xi32, #tpu.memory_space<vmem>>, vector<16xi32>,
    }
    %scan3A_15 = arith.constant 32 : i32
    %dma_start3A_16 = tpu.memref_slice %arg10[%mul3A_2] : memref<16384xi32, #tpu.memory_space<hbm>> -> memref<512xi32, #tpu.memory_space<hbm>>
    %dma_start3A_17 = tpu.memref_slice %arg10[%mul3A_2] : memref<16384xi32, #tpu.memory_space<hbm>> -> memref<512xi32, #tpu.memory_space<hbm>>
    tpu.enqueue_dma source(%arg19 : memref<512xi32, #tpu.memory_space<vmem>>) target(%dma_start3A_17 : memref<512xi32, #tpu.memory_space<hbm>>) target_semaphore(%arg30 : memref<!tpu.dma_semaphore, #tpu.memory_space<semaphore_mem>>)
    %dma_start3A_18 = arith.constant 0 : i32
    %dma_start3A_19 = tpu.memref_slice %arg6[%dma_start3A_18] : memref<400000xf32, #tpu.memory_space<hbm>> -> memref<400000xf32, #tpu.memory_space<hbm>>
    tpu.enqueue_indirect_dma source(%dma_start3A_19 : memref<400000xf32, #tpu.memory_space<hbm>>) target(%arg24 : memref<512xf32, #tpu.memory_space<vmem>>) offsets(%arg20 : memref<512xi32, #tpu.memory_space<vmem>>) semaphore(%arg29 : memref<!tpu.dma_semaphore, #tpu.memory_space<semaphore_mem>>)
    %dma_start3A_20 = arith.constant 0 : i32
    %dma_start3A_21 = tpu.memref_slice %arg6[%dma_start3A_20] : memref<400000xf32, #tpu.memory_space<hbm>> -> memref<400000xf32, #tpu.memory_space<hbm>>
    tpu.enqueue_indirect_dma source(%dma_start3A_21 : memref<400000xf32, #tpu.memory_space<hbm>>) target(%arg25 : memref<512xf32, #tpu.memory_space<vmem>>) offsets(%arg21 : memref<512xi32, #tpu.memory_space<vmem>>) semaphore(%arg29 : memref<!tpu.dma_semaphore, #tpu.memory_space<semaphore_mem>>)
    %dma_start3A_22 = arith.constant 0 : i32
    %dma_start3A_23 = tpu.memref_slice %arg6[%dma_start3A_22] : memref<400000xf32, #tpu.memory_space<hbm>> -> memref<400000xf32, #tpu.memory_space<hbm>>
    tpu.enqueue_indirect_dma source(%dma_start3A_23 : memref<400000xf32, #tpu.memory_space<hbm>>) target(%arg26 : memref<512xf32, #tpu.memory_space<vmem>>) offsets(%arg22 : memref<512xi32, #tpu.memory_space<vmem>>) semaphore(%arg29 : memref<!tpu.dma_semaphore, #tpu.memory_space<semaphore_mem>>)
    %dma_start3A_24 = arith.constant 0 : i32
    %dma_start3A_25 = tpu.memref_slice %arg6[%dma_start3A_24] : memref<400000xf32, #tpu.memory_space<hbm>> -> memref<400000xf32, #tpu.memory_space<hbm>>
    tpu.enqueue_indirect_dma source(%dma_start3A_25 : memref<400000xf32, #tpu.memory_space<hbm>>) target(%arg27 : memref<512xf32, #tpu.memory_space<vmem>>) offsets(%arg23 : memref<512xi32, #tpu.memory_space<vmem>>) semaphore(%arg29 : memref<!tpu.dma_semaphore, #tpu.memory_space<semaphore_mem>>)
    %dma_wait3A_26 = tpu.memref_slice %arg7[%mul3A_2] : memref<16384xi32, #tpu.memory_space<hbm>> -> memref<512xi32, #tpu.memory_space<hbm>>
    %dma_wait3A_27 = tpu.memref_slice %arg7[%mul3A_2] : memref<16384xi32, #tpu.memory_space<hbm>> -> memref<512xi32, #tpu.memory_space<hbm>>
    tpu.wait_dma2 semaphore(%arg31 : memref<!tpu.dma_semaphore, #tpu.memory_space<semaphore_mem>>) src(%dma_wait3A_27 : memref<512xi32, #tpu.memory_space<hbm>>) dst(%arg16 : memref<512xi32, #tpu.memory_space<vmem>>)
    tpu.wait_dma2 semaphore(%arg31 : memref<!tpu.dma_semaphore, #tpu.memory_space<semaphore_mem>>) src(%arg2 : memref<1000xf32, #tpu.memory_space<hbm>>) dst(%arg12 : memref<1000xf32, #tpu.memory_space<vmem>>)
    tpu.wait_dma2 semaphore(%arg31 : memref<!tpu.dma_semaphore, #tpu.memory_space<semaphore_mem>>) src(%arg3 : memref<1000xf32, #tpu.memory_space<hbm>>) dst(%arg13 : memref<1000xf32, #tpu.memory_space<vmem>>)
    tpu.wait_dma2 semaphore(%arg31 : memref<!tpu.dma_semaphore, #tpu.memory_space<semaphore_mem>>) src(%arg4 : memref<1000xf32, #tpu.memory_space<hbm>>) dst(%arg14 : memref<1000xf32, #tpu.memory_space<vmem>>)
    tpu.wait_dma2 semaphore(%arg31 : memref<!tpu.dma_semaphore, #tpu.memory_space<semaphore_mem>>) src(%arg5 : memref<1000xf32, #tpu.memory_space<hbm>>) dst(%arg15 : memref<1000xf32, #tpu.memory_space<vmem>>)
    %scan3A_28 = arith.constant 0 : i32
    %scan3A_29 = arith.constant 0 : i32
    %scan3A_30 = arith.constant 32 : i32
    %scan3A_31 = arith.addi %scan3A_29, %scan3A_30 : i32
    %scan3A_32 = arith.constant 1 : i32
    scf.for %scan3A_52 = %scan3A_29 to %scan3A_31 step %scan3A_32  : i32 {
      %mul3A_53 = arith.constant 16 : i32
      %mul3A_54 = arith.muli %scan3A_52, %mul3A_53 : i32
      %get3A = arith.index_cast %mul3A_54 : i32 to index
      %get3A_55 = tpu.vector_load %arg16[%get3A] {strides = array<i32>} : memref<512xi32, #tpu.memory_space<vmem>>, vector<16xi32>,
      %gather3A = tpu.vector_load_idx %arg12[%get3A_55] : memref<1000xf32, #tpu.memory_space<vmem>>[vector<16xi32>], vector<16xf32>,
      %swap3A = arith.index_cast %mul3A_54 : i32 to index
      %swap3A_56 = tpu.vector_load %arg28[%swap3A] {strides = array<i32>} : memref<2048xf32, #tpu.memory_space<vmem>>, vector<16xf32>,
      tpu.vector_store %arg28[%swap3A], %gather3A {strides = array<i32>} : memref<2048xf32, #tpu.memory_space<vmem>>, vector<16xf32>,
      %gather3A_57 = tpu.vector_load_idx %arg13[%get3A_55] : memref<1000xf32, #tpu.memory_space<vmem>>[vector<16xi32>], vector<16xf32>,
      %add3A_58 = arith.constant 512 : i32
      %add3A_59 = arith.addi %add3A_58, %mul3A_54 : i32
      %swap3A_60 = arith.index_cast %add3A_59 : i32 to index
      %swap3A_61 = tpu.vector_load %arg28[%swap3A_60] {strides = array<i32>} : memref<2048xf32, #tpu.memory_space<vmem>>, vector<16xf32>,
      tpu.vector_store %arg28[%swap3A_60], %gather3A_57 {strides = array<i32>} : memref<2048xf32, #tpu.memory_space<vmem>>, vector<16xf32>,
      %gather3A_62 = tpu.vector_load_idx %arg14[%get3A_55] : memref<1000xf32, #tpu.memory_space<vmem>>[vector<16xi32>], vector<16xf32>,
      %add3A_63 = arith.constant 1024 : i32
      %add3A_64 = arith.addi %add3A_63, %mul3A_54 : i32
      %swap3A_65 = arith.index_cast %add3A_64 : i32 to index
      %swap3A_66 = tpu.vector_load %arg28[%swap3A_65] {strides = array<i32>} : memref<2048xf32, #tpu.memory_space<vmem>>, vector<16xf32>,
      tpu.vector_store %arg28[%swap3A_65], %gather3A_62 {strides = array<i32>} : memref<2048xf32, #tpu.memory_space<vmem>>, vector<16xf32>,
      %gather3A_67 = tpu.vector_load_idx %arg15[%get3A_55] : memref<1000xf32, #tpu.memory_space<vmem>>[vector<16xi32>], vector<16xf32>,
      %add3A_68 = arith.constant 1536 : i32
      %add3A_69 = arith.addi %add3A_68, %mul3A_54 : i32
      %swap3A_70 = arith.index_cast %add3A_69 : i32 to index
      %swap3A_71 = tpu.vector_load %arg28[%swap3A_70] {strides = array<i32>} : memref<2048xf32, #tpu.memory_space<vmem>>, vector<16xf32>,
      tpu.vector_store %arg28[%swap3A_70], %gather3A_67 {strides = array<i32>} : memref<2048xf32, #tpu.memory_space<vmem>>, vector<16xf32>,
    }
    %scan3A_33 = arith.constant 32 : i32
    %dma_wait3A_34 = arith.constant 0 : i32
    %dma_wait3A_35 = tpu.memref_slice %arg6[%dma_wait3A_34] : memref<400000xf32, #tpu.memory_space<hbm>> -> memref<400000xf32, #tpu.memory_space<hbm>>
    tpu.wait_indirect_dma semaphore(%arg29 : memref<!tpu.dma_semaphore, #tpu.memory_space<semaphore_mem>>) src(%dma_wait3A_35 : memref<400000xf32, #tpu.memory_space<hbm>>) dst(%arg24 : memref<512xf32, #tpu.memory_space<vmem>>)
    %dma_wait3A_36 = arith.constant 0 : i32
    %dma_wait3A_37 = tpu.memref_slice %arg6[%dma_wait3A_36] : memref<400000xf32, #tpu.memory_space<hbm>> -> memref<400000xf32, #tpu.memory_space<hbm>>
    tpu.wait_indirect_dma semaphore(%arg29 : memref<!tpu.dma_semaphore, #tpu.memory_space<semaphore_mem>>) src(%dma_wait3A_37 : memref<400000xf32, #tpu.memory_space<hbm>>) dst(%arg25 : memref<512xf32, #tpu.memory_space<vmem>>)
    %dma_wait3A_38 = arith.constant 0 : i32
    %dma_wait3A_39 = tpu.memref_slice %arg6[%dma_wait3A_38] : memref<400000xf32, #tpu.memory_space<hbm>> -> memref<400000xf32, #tpu.memory_space<hbm>>
    tpu.wait_indirect_dma semaphore(%arg29 : memref<!tpu.dma_semaphore, #tpu.memory_space<semaphore_mem>>) src(%dma_wait3A_39 : memref<400000xf32, #tpu.memory_space<hbm>>) dst(%arg26 : memref<512xf32, #tpu.memory_space<vmem>>)
    %dma_wait3A_40 = arith.constant 0 : i32
    %dma_wait3A_41 = tpu.memref_slice %arg6[%dma_wait3A_40] : memref<400000xf32, #tpu.memory_space<hbm>> -> memref<400000xf32, #tpu.memory_space<hbm>>
    tpu.wait_indirect_dma semaphore(%arg29 : memref<!tpu.dma_semaphore, #tpu.memory_space<semaphore_mem>>) src(%dma_wait3A_41 : memref<400000xf32, #tpu.memory_space<hbm>>) dst(%arg27 : memref<512xf32, #tpu.memory_space<vmem>>)
    %scan3A_42 = arith.constant 0 : i32
    %scan3A_43 = arith.constant 0 : i32
    %scan3A_44 = arith.constant 32 : i32
    %scan3A_45 = arith.addi %scan3A_43, %scan3A_44 : i32
    %scan3A_46 = arith.constant 1 : i32
    scf.for %scan3A_52 = %scan3A_43 to %scan3A_45 step %scan3A_46  : i32 {
      %mul3A_53 = arith.constant 16 : i32
      %mul3A_54 = arith.muli %scan3A_52, %mul3A_53 : i32
      %get3A = arith.index_cast %mul3A_54 : i32 to index
      %get3A_55 = tpu.vector_load %arg28[%get3A] {strides = array<i32>} : memref<2048xf32, #tpu.memory_space<vmem>>, vector<16xf32>,
      %get3A_56 = arith.index_cast %mul3A_54 : i32 to index
      %get3A_57 = tpu.vector_load %arg24[%get3A_56] {strides = array<i32>} : memref<512xf32, #tpu.memory_space<vmem>>, vector<16xf32>,
      %add3A_58 = arith.addf %get3A_55, %get3A_57 : vector<16xf32>
      %neg3A = arith.constant 0.000000e+00 : f32
      %neg3A_59 = vector.broadcast %neg3A : f32 to vector<16xf32>
      %neg3A_60 = arith.subf %neg3A_59, %add3A_58 : vector<16xf32>
      %exp3A = math.exp %neg3A_60 : vector<16xf32>
      %add3A_61 = arith.constant 1.000000e+00 : f32
      %add3A_62 = vector.broadcast %add3A_61 : f32 to vector<16xf32>
      %add3A_63 = arith.addf %add3A_62, %exp3A : vector<16xf32>
      %div3A = arith.constant 1.000000e+00 : f32
      %div3A_64 = vector.broadcast %div3A : f32 to vector<16xf32>
      %div3A_65 = arith.divf %div3A_64, %add3A_63 : vector<16xf32>
      %swap3A = arith.index_cast %mul3A_54 : i32 to index
      %swap3A_66 = tpu.vector_load %arg28[%swap3A] {strides = array<i32>} : memref<2048xf32, #tpu.memory_space<vmem>>, vector<16xf32>,
      tpu.vector_store %arg28[%swap3A], %div3A_65 {strides = array<i32>} : memref<2048xf32, #tpu.memory_space<vmem>>, vector<16xf32>,
      %add3A_67 = arith.constant 512 : i32
      %add3A_68 = arith.addi %add3A_67, %mul3A_54 : i32
      %get3A_69 = arith.index_cast %add3A_68 : i32 to index
      %get3A_70 = tpu.vector_load %arg28[%get3A_69] {strides = array<i32>} : memref<2048xf32, #tpu.memory_space<vmem>>, vector<16xf32>,
      %get3A_71 = arith.index_cast %mul3A_54 : i32 to index
      %get3A_72 = tpu.vector_load %arg25[%get3A_71] {strides = array<i32>} : memref<512xf32, #tpu.memory_space<vmem>>, vector<16xf32>,
      %sub3A = arith.subf %get3A_70, %get3A_72 : vector<16xf32>
      %neg3A_73 = arith.constant 0.000000e+00 : f32
      %neg3A_74 = vector.broadcast %neg3A_73 : f32 to vector<16xf32>
      %neg3A_75 = arith.subf %neg3A_74, %sub3A : vector<16xf32>
      %exp3A_76 = math.exp %neg3A_75 : vector<16xf32>
      %add3A_77 = arith.constant 1.000000e+00 : f32
      %add3A_78 = vector.broadcast %add3A_77 : f32 to vector<16xf32>
      %add3A_79 = arith.addf %add3A_78, %exp3A_76 : vector<16xf32>
      %div3A_80 = arith.constant 1.000000e+00 : f32
      %div3A_81 = vector.broadcast %div3A_80 : f32 to vector<16xf32>
      %div3A_82 = arith.divf %div3A_81, %add3A_79 : vector<16xf32>
      %add3A_83 = arith.constant 512 : i32
      %add3A_84 = arith.addi %add3A_83, %mul3A_54 : i32
      %swap3A_85 = arith.index_cast %add3A_84 : i32 to index
      %swap3A_86 = tpu.vector_load %arg28[%swap3A_85] {strides = array<i32>} : memref<2048xf32, #tpu.memory_space<vmem>>, vector<16xf32>,
      tpu.vector_store %arg28[%swap3A_85], %div3A_82 {strides = array<i32>} : memref<2048xf32, #tpu.memory_space<vmem>>, vector<16xf32>,
      %add3A_87 = arith.constant 1024 : i32
      %add3A_88 = arith.addi %add3A_87, %mul3A_54 : i32
      %get3A_89 = arith.index_cast %add3A_88 : i32 to index
      %get3A_90 = tpu.vector_load %arg28[%get3A_89] {strides = array<i32>} : memref<2048xf32, #tpu.memory_space<vmem>>, vector<16xf32>,
      %get3A_91 = arith.index_cast %mul3A_54 : i32 to index
      %get3A_92 = tpu.vector_load %arg26[%get3A_91] {strides = array<i32>} : memref<512xf32, #tpu.memory_space<vmem>>, vector<16xf32>,
      %add3A_93 = arith.addf %get3A_90, %get3A_92 : vector<16xf32>
      %add3A_94 = arith.constant 1024 : i32
      %add3A_95 = arith.addi %add3A_94, %mul3A_54 : i32
      %swap3A_96 = arith.index_cast %add3A_95 : i32 to index
      %swap3A_97 = tpu.vector_load %arg28[%swap3A_96] {strides = array<i32>} : memref<2048xf32, #tpu.memory_space<vmem>>, vector<16xf32>,
      tpu.vector_store %arg28[%swap3A_96], %add3A_93 {strides = array<i32>} : memref<2048xf32, #tpu.memory_space<vmem>>, vector<16xf32>,
      %add3A_98 = arith.constant 1536 : i32
      %add3A_99 = arith.addi %add3A_98, %mul3A_54 : i32
      %get3A_100 = arith.index_cast %add3A_99 : i32 to index
      %get3A_101 = tpu.vector_load %arg28[%get3A_100] {strides = array<i32>} : memref<2048xf32, #tpu.memory_space<vmem>>, vector<16xf32>,
      %get3A_102 = arith.index_cast %mul3A_54 : i32 to index
      %get3A_103 = tpu.vector_load %arg27[%get3A_102] {strides = array<i32>} : memref<512xf32, #tpu.memory_space<vmem>>, vector<16xf32>,
      %sub3A_104 = arith.subf %get3A_101, %get3A_103 : vector<16xf32>
      %add3A_105 = arith.constant 1536 : i32
      %add3A_106 = arith.addi %add3A_105, %mul3A_54 : i32
      %swap3A_107 = arith.index_cast %add3A_106 : i32 to index
      %swap3A_108 = tpu.vector_load %arg28[%swap3A_107] {strides = array<i32>} : memref<2048xf32, #tpu.memory_space<vmem>>, vector<16xf32>,
      tpu.vector_store %arg28[%swap3A_107], %sub3A_104 {strides = array<i32>} : memref<2048xf32, #tpu.memory_space<vmem>>, vector<16xf32>,
    }
    %scan3A_47 = arith.constant 32 : i32
    %mul3A_48 = arith.constant 4 : i32
    %mul3A_49 = arith.muli %mul3A_48, %mul3A_2 : i32
    "tpu.region"() ({
      %run_scoped3A = tpu.sem_alloc : memref<!tpu.dma_semaphore, #tpu.memory_space<semaphore_mem>>
      %dma_start3A_52 = tpu.memref_slice %arg11[%mul3A_49] : memref<65536xf32, #tpu.memory_space<hbm>> -> memref<2048xf32, #tpu.memory_space<hbm>>
      %dma_start3A_53 = tpu.memref_slice %arg11[%mul3A_49] : memref<65536xf32, #tpu.memory_space<hbm>> -> memref<2048xf32, #tpu.memory_space<hbm>>
      tpu.enqueue_dma source(%arg28 : memref<2048xf32, #tpu.memory_space<vmem>>) target(%dma_start3A_53 : memref<2048xf32, #tpu.memory_space<hbm>>) target_semaphore(%run_scoped3A : memref<!tpu.dma_semaphore, #tpu.memory_space<semaphore_mem>>)
      %dma_wait3A_54 = tpu.memref_slice %arg11[%mul3A_49] : memref<65536xf32, #tpu.memory_space<hbm>> -> memref<2048xf32, #tpu.memory_space<hbm>>
      %dma_wait3A_55 = tpu.memref_slice %arg11[%mul3A_49] : memref<65536xf32, #tpu.memory_space<hbm>> -> memref<2048xf32, #tpu.memory_space<hbm>>
      tpu.wait_dma2 semaphore(%run_scoped3A : memref<!tpu.dma_semaphore, #tpu.memory_space<semaphore_mem>>) src(%arg28 : memref<2048xf32, #tpu.memory_space<vmem>>) dst(%dma_wait3A_55 : memref<2048xf32, #tpu.memory_space<hbm>>)
      tpu.yield
    }) : () -> ()
    %dma_wait3A_50 = tpu.memref_slice %arg10[%mul3A_2] : memref<16384xi32, #tpu.memory_space<hbm>> -> memref<512xi32, #tpu.memory_space<hbm>>
    %dma_wait3A_51 = tpu.memref_slice %arg10[%mul3A_2] : memref<16384xi32, #tpu.memory_space<hbm>> -> memref<512xi32, #tpu.memory_space<hbm>>
    tpu.wait_dma2 semaphore(%arg30 : memref<!tpu.dma_semaphore, #tpu.memory_space<semaphore_mem>>) src(%arg19 : memref<512xi32, #tpu.memory_space<vmem>>) dst(%dma_wait3A_51 : memref<512xi32, #tpu.memory_space<hbm>>)
    return
  }
}

</mosaic_0001>

<sc_bundles>
// kernel: bkt_irt_a.3.cloned.1.call-start
scs
__scs_entry_jumppad:
0x0: {  	(pc) =	sbr.rel $0x88, $3  }
0x1: {  	(tag) =	ssettag $0x0;
	lr =	simm.s32 $0x1  }
0x2: {  	[smem:$0x3F94] =	sst lr;
	_ =	strace $0xD0000000  }
0x3: {  	_ = 	snop  }
0x4: {  	_ = 	snop  }
0x5: {  	_ = 	snop  }
0x6: {  	_ = 	snop  }
0x7: {  	_ = 	snop  }
__scs_overlays_trampoline_lowered:
0x8: {  	[smem:$0x3FA3] =	sst s0  }
0x9: {  	[smem:$0x3FA4] =	sst s1  }
0xa: {  	[smem:$0x3FA5] =	sst s2  }
0xb: {  	[smem:$0x3FA6] =	sst s3  }
0xc: {  	[smem:$0x3FA7] =	sst s4  }
0xd: {  	[smem:$0x3FA8] =	sst s5  }
0xe: {  	[smem:$0x3FA9] =	sst s6  }
0xf: {  	[smem:$0x3FAA] =	sst s7  }
0x10: {  	[smem:$0x3FAB] =	sst s8  }
0x11: {  	[smem:$0x3FAC] =	sst s9;
	s0 =	simm.s32 @!p0 $0x0  }
0x12: {  	s1 =	sld [smem:$0x3F92];
	s0 =	simm.s32 @p0 $0x1  }
0x13: {  	[smem:$0x3FAD] =	sst s0;
	s0 =	simm.s32 @!p1 $0x0  }
0x14: {  	s2 =	sld [smem:$0x3F91];
	s0 =	simm.s32 @p1 $0x1  }
0x15: {  	[smem:$0x3FAE] =	sst s0;
	s0 =	simm.s32 @!p2 $0x0  }
0x16: {  	s3 =	sld [smem:$0x3FDB];
	s0 =	simm.s32 @p2 $0x1  }
0x17: {  	s4 =	simm.s32 $0x1BF5;
	[smem:$0x3FB0] =	sst s0  }
0x18: {  	s0 =	sld [smem:$0x3F93];
	_ =	swait.ge [sflag:s4], $0x0  }
0x19: {  	s7 =	sld [smem:$0x3F94]  }
0x1a: {  	s8 =	sadd.s32 $0xFFFFE003, lr  }
0x1b: {  	s9 =	sadd.s32 $0xFFFFFEF7, lr;
	s5 =	simm.s32 $0xFFFFFFFF;
	p2 =	slt.u32 s8, $0xFFFFF086  }
0x1c: {  	p1 =	slt.u32 s9, $0xF7A;
	s5 =	simm.s32 @!p2 $0x0  }
0x1d: {  	s5 =	simm.s32 @p1 $0x1;
	p0 =	seq.s32 s7, s2  }
0x1e: {  	s7 =	smul.u32 @!p0 $0xF7A, s2;
	p2 =	seq.s32 @!p0 s5, $0x0  }
0x1f: {  	s9 =	smul.u32 $0xF7A, s1;
	s8 =	simm.s32 @!p0 $0x1BF5;
	p2 =	por !p2, p0  }
0x20: {  	[sflag:s8] =	ssyncset.s32 @!p0 $0xFFFFF086;
	s6 =	sadd.s32 @!p0 s3, s7;
	s7 =	simm.s32 @!p0 $0x108  }
0x21: {  	s3 =	sadd.s32 s3, s9;
	s6 =	sadd.s32 @!p0 $0x88, s6;
	s7 =	simm.s32 @p2 $0x1082  }
0x22: {  	[simem:s7], [sflag:s8] =	dma.local @!p0 [hbm:s6], $0xF7A  }
0x23: {  	s9 =	sor.u32 $0xD0000000, s2;
	s6 =	simm.s32 $0x108;
	_ =	swait.ge @!p0 [sflag:s8], $0x0  }
0x24: {  	s3 =	sadd.s32 $0x88, s3;
	s6 =	simm.s32 @!p1 $0x1082;
	[sflag:s4] =	ssyncset.s32 $0xFFFFF086  }
0x25: {  	[simem:s6], [sflag:s4] =	dma.local [hbm:s3], $0xF7A  }
0x26: {  	[smem:$0x3F94] =	sst s1;
	(tag) =	ssettag s2;
	_ =	strace s9  }
0x27: {  	s1 =	sld [smem:$0x3FA4]  }
0x28: {  	s2 =	sld [smem:$0x3FA5]  }
0x29: {  	s4 =	sld [smem:$0x3FA7]  }
0x2a: {  	p0 =	seq.s32 s5, $0x0;
	s5 =	sld [smem:$0x3FA8]  }
0x2b: {  	s6 =	sld [smem:$0x3FA9]  }
0x2c: {  	s7 =	sld [smem:$0x3FAA]  }
0x2d: {  	s3 =	simm.s32 $0x108;
	s8 =	sld [smem:$0x3FAB]  }
0x2e: {  	s3 =	simm.s32 @!p0 $0x1082;
	s9 =	sld [smem:$0x3FAC]  }
0x2f: {  	lr =	sadd.s32 s0, s3;
	s0 =	sld [smem:$0x3FA3]  }
0x30: {  	s3 =	sld [smem:$0x3FA6]  }
0x31: {  	[smem:$0x3FAF] =	sst s10  }
0x32: {  	s10 =	sld [smem:$0x3FAD];
	_ =	sdelay $0x3  }
0x33: {  	p0 =	seq.s32 s10, $0x1;
	s10 =	sld [smem:$0x3FAF];
	_ =	sdelay $0x3  }
0x34: {  	[smem:$0x3FAF] =	sst s10  }
0x35: {  	s10 =	sld [smem:$0x3FAE];
	_ =	sdelay $0x3  }
0x36: {  	p1 =	seq.s32 s10, $0x1;
	s10 =	sld [smem:$0x3FAF];
	_ =	sdelay $0x3  }
0x37: {  	[smem:$0x3FAF] =	sst s10  }
0x38: {  	s10 =	sld [smem:$0x3FB0]  }
0x39: {  	_ = 	snop;
	(pc) =	sbr.ind lr, $3  }
0x3a: {  	_ = 	snop  }
0x3b: {  	_ = 	snop  }
0x3c: {  	p2 =	seq.s32 s10, $0x1;
	s10 =	sld [smem:$0x3FAF]  }
0x3d: {  	_ =	shalt  }
0x3e: {  	_ =	shalt  }
0x3f: {  	_ =	shalt  }
0x40: {  	_ =	shalt  }
0x41: {  	_ =	shalt  }
0x42: {  	_ =	shalt  }
0x43: {  	_ =	shalt  }
0x44: {  	_ =	shalt  }
0x45: {  	_ =	shalt  }
0x46: {  	_ =	shalt  }
0x47: {  	_ =	shalt  }
0x48: {  	_ =	shalt  }
0x49: {  	_ =	shalt  }
0x4a: {  	_ =	shalt  }
0x4b: {  	_ =	shalt  }
0x4c: {  	_ =	shalt  }
0x4d: {  	_ =	shalt  }
0x4e: {  	_ =	shalt  }
0x4f: {  	_ =	shalt  }
0x50: {  	_ =	shalt  }
0x51: {  	_ =	shalt  }
0x52: {  	_ =	shalt  }
0x53: {  	_ =	shalt  }
0x54: {  	_ =	shalt  }
0x55: {  	_ =	shalt  }
0x56: {  	_ =	shalt  }
0x57: {  	_ =	shalt  }
0x58: {  	_ =	shalt  }
0x59: {  	_ =	shalt  }
0x5a: {  	_ =	shalt  }
0x5b: {  	_ =	shalt  }
0x5c: {  	_ =	shalt  }
0x5d: {  	_ =	shalt  }
0x5e: {  	_ =	shalt  }
0x5f: {  	_ =	shalt  }
0x60: {  	_ =	shalt  }
0x61: {  	_ =	shalt  }
0x62: {  	_ =	shalt  }
0x63: {  	_ =	shalt  }
0x64: {  	_ =	shalt  }
0x65: {  	_ =	shalt  }
0x66: {  	_ =	shalt  }
0x67: {  	_ =	shalt  }
0x68: {  	_ =	shalt  }
0x69: {  	_ =	shalt  }
0x6a: {  	_ =	shalt  }
0x6b: {  	_ =	shalt  }
0x6c: {  	_ =	shalt  }
0x6d: {  	_ =	shalt  }
0x6e: {  	_ =	shalt  }
0x6f: {  	_ =	shalt  }
0x70: {  	_ =	shalt  }
0x71: {  	_ =	shalt  }
0x72: {  	_ =	shalt  }
0x73: {  	_ =	shalt  }
0x74: {  	_ =	shalt  }
0x75: {  	_ =	shalt  }
0x76: {  	_ =	shalt  }
0x77: {  	_ =	shalt  }
0x78: {  	_ =	shalt  }
0x79: {  	_ =	shalt  }
0x7a: {  	_ =	shalt  }
0x7b: {  	_ =	shalt  }
0x7c: {  	_ =	shalt  }
0x7d: {  	_ =	shalt  }
0x7e: {  	_ =	shalt  }
0x7f: {  	_ =	shalt  }
0x80: {  	_ =	shalt  }
0x81: {  	_ =	shalt  }
0x82: {  	_ =	shalt  }
0x83: {  	_ =	shalt  }
0x84: {  	_ =	shalt  }
0x85: {  	_ =	shalt  }
0x86: {  	_ =	shalt  }
0x87: {  	_ =	shalt  }
.Lfunc_end0:
.L_simem_size_0:
called_computation_lowered:
.L_overlay_start_0:
0x88: {  	s2 =	sld [smem:$0x3FD9]  }
0x89: {  	s3 =	sld [smem:$0x3FFE];
	_ =	sdelay $0x1  }
0x8a: {  	s1 =	srdreg.scid  }
0x8b: {  	s0 =	sand.u32 $0x1, s1  }
0x8c: {  	s17 =	sshll.u32 s0, $0xA;
	s2 =	sadd.s32 s3, s2  }
0x8d: {  	s2 =	sadd.s32 s2, s17  }
0x8e: {  	[smem:$0x3FBB] =	sst s2  }
0x8f: {  	_ = 	snop  }
0x90: {  	s2 =	sld [smem:$0x3FC7]  }
0x91: {  	s18 =	sld [smem:$0x3FC6]  }
0x92: {  	s4 =	sld [smem:$0x3FC5]  }
0x93: {  	s5 =	sld [smem:$0x3FC4]  }
0x94: {  	s6 =	sld [smem:$0x3FC0]  }
0x95: {  	s7 =	sld [smem:$0x3FBF]  }
0x96: {  	s8 =	sld [smem:$0x3FBE]  }
0x97: {  	s9 =	sld [smem:$0x3FBD];
	(tm) =	ssettm $0x1  }
0x98: {  	s10 =	sld [smem:$0x3FFB];
	_ =	sdelay $0x3  }
0x99: {  	_ =	strace s10  }
0x9a: {  	s10 =	sld [smem:$0x3FFC];
	_ =	sdelay $0x3  }
0x9b: {  	_ =	strace s10  }
0x9c: {  	s10 =	sld [smem:$0x3FFD];
	_ =	sdelay $0x3  }
0x9d: {  	_ =	strace s10  }
0x9e: {  	_ =	strace $0x8FFFFFFF  }
0x9f: {  	s19 =	sld [smem:$0x3FDB];
	_ =	sdelay $0x1  }
0xa0: {  	s11 =	simm.s32 $_scs_section_size  }
0xa1: {  	s12 =	simm.s32 $_size__tile_overlayer_lowered;
	s13 =	simm.s32 $_tile_overlayer_lowered  }
0xa2: {  	s22 =	simm.s32 $0x1BFF;
	s21 =	sshll.u32 s13, $0x1;
	s10 =	sadd.s32 s11, s19  }
0xa3: {  	s14 =	simm.s32 $0x0;
	s20 =	sshll.u32 s12, $0x1;
	s12 =	sadd.s32 s21, s10  }
0xa4: {  	[timem:s14], [sflag:s22] =	dma.local [hbm:s12], s20  }
0xa5: {  	_ =	swait.ge [sflag:s22], s20  }
0xa6: {  	s11 =	ssub.s32 $0x0, s20;
	[sflag:s22] =	ssyncset.done $0x0  }
0xa7: {  	[sflag:s22] =	ssyncadd.s32 s11;
	_ =	sdelay $0x1  }
0xa8: {  	s23 =	simm.s32 $0x1B8B  }
0xa9: {  	_ =	swait.ge [sflag:s23], $0x1  }
0xaa: {  	[sflag:s23] =	ssyncset.done $0x0  }
0xab: {  	s25 =	simm.s32 $0x1B8E;
	s24 =	sld [smem:$0x3FFE];
	[sflag:s23] =	ssyncadd.s32 $0xFFFFFFFF  }
0xac: {  	s26 =	simm.s32 $execute0_lowered;
	[smem:$0x3FD2] =	sst s25  }
0xad: {  	s12 =	sshll.u32 s26, $0x1;
	_ =	strace $0x80000046;
	[dreg:$0x1] =	wrdreg $0xFFFFFFFF  }
0xae: {  	s28 =	simm.s32 $_size_execute0_lowered;
	s10 =	sadd.s32 s10, s12;
	[dreg:$0x0] =	wrdreg $0x0  }
0xaf: {  	s12 =	sshll.u32 s28, $0x1;
	[dreg:$0x2] =	wrdreg s10  }
0xb0: {  	[dreg:$0x3] =	wrdreg s12  }
0xb1: {  	[dreg:$0x4] =	wrdreg $0xC0  }
0xb2: {  	_ =	task [dreg:s14], $0x5FFFF  }
0xb3: {  	[dreg:$0x1] =	wrdreg $0xFFFFFFFF  }
0xb4: {  	[dreg:$0x0] =	wrdreg $0x60  }
0xb5: {  	[dreg:$0x2] =	wrdreg s2  }
0xb6: {  	[dreg:$0x3] =	wrdreg s18  }
0xb7: {  	[dreg:$0x4] =	wrdreg s4  }
0xb8: {  	[dreg:$0x5] =	wrdreg s5  }
0xb9: {  	[dreg:$0x6] =	wrdreg s6  }
0xba: {  	[dreg:$0x7] =	wrdreg s7  }
0xbb: {  	[dreg:$0x8] =	wrdreg s8  }
0xbc: {  	[dreg:$0x9] =	wrdreg s9  }
0xbd: {  	[dreg:$0xa] =	wrdreg s24  }
0xbe: {  	[dreg:$0xb] =	wrdreg $0x9  }
0xbf: {  	_ =	task.clear_ibuf [dreg:s14], $0xCFFFF;
	_ =	strace $0x90000046  }
0xc0: {  	s29 =	simm.s32 $0x9;
	_ =	strace $0x80000048  }
0xc1: {  	_ =	swait.ge [sflag:s29], $0x1  }
0xc2: {  	[sflag:s29] =	ssyncadd.s32 $0xFFFFFFFF  }
0xc3: {  	_ =	strace $0x90000048  }
0xc4: {  	_ =	sfence  }
0xc5: {  	s30 =	sld [smem:$0x0];
	_ =	sdelay $0x2  }
0xc6: {  	s31 =	sshll.u32 s1, $0xD;
	s1 =	sshrl.u32 s1, $0x2  }
0xc7: {  	s3 =	sand.u32 $0x4000, s31;
	s1 =	sadd.s32 s1, s30  }
0xc8: {  	s0 =	sor.u32 s3, s0;
	s1 =	sshll.u32 s1, $0x11  }
0xc9: {  	s0 =	sor.u32 s1, s0  }
0xca: {  	s0 =	sadd.s32 $0x8F2B, s0  }
0xcb: {  	[sflag:s0] =	ssyncadd.remote.s32 $0x1  }
0xcc: {  	_ =	sfence.sel $0xFFFF  }
0xcd: {  	[dreg:$0x0] =	wrdreg $0xFFFFFFFF;
	(pc) =	sbr.abs _section_cstart, $3  }
0xce: {  	[dreg:$0x1] =	wrdreg $0xFFFFFFFF  }
0xcf: {  	_ =	task.clear_ibuf [dreg:s14], $0x2FFFF;
	_ =	strace $0x9FFFFFFF  }
0xd0: {  	(tm) =	ssettm $0x7FFFFFFF  }
0xd1: {  	_ =	shalt  }
tec
execute0_lowered:
.L_overlay_start_1:
0x0: {  	(tag) =	ssettag $0x1  }
0x1: {  	s5 =	rddreg [dreg:$0x4]  }
0x2: {  	s0 =	rddreg [dreg:$0x5]  }
0x3: {  	s1 =	rddreg [dreg:$0x6]  }
0x4: {  	s2 =	rddreg [dreg:$0x7]  }
0x5: {  	s3 =	rddreg [dreg:$0x8]  }
0x6: {  	s4 =	srdreg.scid;
	s6 =	stileid.u32  }
0x7: {  	s7 =	simm.s32 $0x0;
	s16 =	simm.s32 $0xFA0;
	s17 =	simm.s32 $0x3E8  }
0x8: {  	s18 =	simm.s32 $0x7D0;
	s19 =	simm.s32 $0xBB8;
	s20 =	simm.s32 $0x2  }
0x9: {  	s21 =	simm.s32 $0x15A0;
	s22 =	simm.s32 $0x200;
	s23 =	simm.s32 $0x17A0  }
0xa: {  	s24 =	simm.s32 $0x1FA0;
	s25 =	simm.s32 $0x19A0;
	s26 =	simm.s32 $0x21A0  }
0xb: {  	s28 =	simm.s32 $0x1BA0;
	s29 =	simm.s32 $0x23A0;
	s30 =	simm.s32 $0x1DA0  }
0xc: {  	s4 =	sand.u32 $0x1, s4;
	s6 =	sshll.u32 s6, $0x1;
	[smem:$0x7FF] =	sst s7  }
0xd: {  	s31 =	simm.s32 $0x25A0;
	s6 =	sor.u32 s4, s6;
	_ =	strace $0x80000047  }
0xe: {  	s4 =	ssub.s32 $0x2, s4;
	s10 =	sshll.u32 s6, $0x6;
	s6 =	sshll.u32 s6, $0x8  }
0xf: {  	s8 =	sshrl.u32 s4, $0x1;
	s11 =	sadd.s32 s10, s3;
	s3 =	sadd.s32 s6, s3  }
0x10: {  	s4 =	ssub.s32 s4, s8;
	s8 =	sadd.s32 s1, s10;
	s9 =	sadd.s32 s2, s10  }
0x11: {  	s10 =	sadd.s32 s0, s10;
	s6 =	simm.s32 $0x1;
	s0 =	simm.s32 $0x27A0  }
0x12: {  	s1 =	simm.s32 $0x4;
	s2 =	simm.s32 $0x0;
	s11 =	sadd.s32 $0x1000, s11  }
0x13: {  	s12 =	sadd.s32 $0x1800, s3;
	s13 =	smax.u32 s4, $0x1;
	s3 =	simm.s32 $0x3  }
.LBB2_1:
0x14: {  	s4 =	simm.s32 $0x11A0  }
0x15: {  	[tilespmem:s4], [sflag:$0x2] =	stream.linear.gather [hbm4b:s8+s7], $0x200, $0x38;
	[tilespmem:$0x2FA0] =	vst v63  }
0x16: {  	s15 =	simm.s32 $0x13A0  }
0x17: {  	[tilespmem:s15], [sflag:$0x2] =	stream.linear.gather [hbm4b:s9+s7], $0x200, $0x38;
	[tilespmem:$0x2FA0] =	vst v63  }
0x18: {  	_ = 	snop  }
0x19: {  	[tilespmem:s16], [sflag:$0x3] =	stream.linear.gather [hbm4b:s10+s7], $0x200, $0x38;
	[tilespmem:$0x2FA0] =	vst v63  }
0x1a: {  	s14 =	rddreg [dreg:$0x0]  }
0x1b: {  	[tilespmem:s7], [sflag:$0x3] =	stream.linear.gather [hbm4b:s14+s7], $0x3E8, $0x38;
	[tilespmem:$0x2FA0] =	vst v63  }
0x1c: {  	s15 =	rddreg [dreg:$0x1]  }
0x1d: {  	[tilespmem:s17], [sflag:$0x3] =	stream.linear.gather [hbm4b:s15+s7], $0x3E8, $0x38;
	[tilespmem:$0x2FA0] =	vst v63  }
0x1e: {  	s14 =	rddreg [dreg:$0x2]  }
0x1f: {  	[tilespmem:s18], [sflag:$0x3] =	stream.linear.gather [hbm4b:s14+s7], $0x3E8, $0x38;
	[tilespmem:$0x2FA0] =	vst v63  }
0x20: {  	s15 =	rddreg [dreg:$0x3]  }
0x21: {  	[tilespmem:s19], [sflag:$0x3] =	stream.linear.gather [hbm4b:s15+s7], $0x3E8, $0x38;
	[tilespmem:$0x2FA0] =	vst v63  }
0x22: {  	_ =	swait.ge [sflag:s20], $0x200  }
0x23: {  	[sflag:s20] =	ssyncset.done $0x0  }
0x24: {  	[sflag:s20] =	ssyncadd.s32 $0xFFFFFE00  }
0x25: {  	_ =	swait.ge [sflag:s20], $0x200  }
0x26: {  	[sflag:s20] =	ssyncset.done $0x0  }
0x27: {  	s4 =	simm.s32 $0x0;
	[sflag:s20] =	ssyncadd.s32 $0xFFFFFE00  }
0x28: {  	v1 =	vld [tilespmem:s4+$0x11A0]  }
0x29: {  	v0 =	vld [tilespmem:s4+$0x13A0];
	_ =	sdelay $0x2  }
0x2a: {  	s14 =	simm.s32 $0x40  }
.LBB2_2:
0x2b: {  	s15 =	sshra.s32 s14, $0x2;
	p0 =	sne.s32 s14, $0x7C0;
	s14 =	sadd.s32 $0x40, s14;
	vm0 =	vlt.s32 v1, $0xF3FFF  }
.Ltmp0:
0x2c: {  	v2 =	vnsel vm0, $0xF3FFF, v1;
	v1 =	vld [tilespmem:s15+$0x11A0];
	[tilespmem:s4+$0x17A0] =	vst v0;
	v3 =	vadd.s32 $0x186A0, v0;
	v4 =	vadd.s32 $0x30D40, v0;
	(pc) =	sbr.rel @p0 .LBB2_2-.Ltmp0, $4  }
0x2d: {  	[tilespmem:s4+$0x15A0] =	vst v2;
	v2 =	vadd.s32 $0x493E0, v0;
	v0 =	vld [tilespmem:s15+$0x13A0]  }
0x2e: {  	[tilespmem:s4+$0x19A0] =	vst v3  }
0x2f: {  	[tilespmem:s4+$0x1BA0] =	vst v4  }
0x30: {  	[tilespmem:s4+$0x1DA0] =	vst v2;
	s4 =	smov.u32 s15  }
0x31: {  	vm0 =	vlt.s32 v1, $0xF3FFF  }
0x32: {  	v1 =	vnsel vm0, $0xF3FFF, v1;
	[tilespmem:s4+$0x17A0] =	vst v0  }
0x33: {  	v2 =	vadd.s32 $0x186A0, v0;
	[tilespmem:s4+$0x15A0] =	vst v1  }
0x34: {  	v1 =	vadd.s32 $0x30D40, v0;
	[tilespmem:s4+$0x19A0] =	vst v2  }
0x35: {  	v0 =	vadd.s32 $0x493E0, v0;
	[tilespmem:s4+$0x1BA0] =	vst v1  }
0x36: {  	s15 =	simm.s32 $0x0;
	[tilespmem:s4+$0x1DA0] =	vst v0  }
0x37: {  	[hbm4b:s11+s15] =	stream.linear.scatter [tilespmem:s21], [sflag:$0x2], $0x200, $0x38;
	[tilespmem:$0x2FA0] =	vst v63  }
0x38: {  	_ = 	snop  }
0x39: {  	[tilespmem:s24], [sflag:$0x1] =	stream.indirect.gather [hbm4b:s5+s22], $0x1, s23, s22, $0xb8;
	[tilespmem:$0x2FA0] =	vst v63  }
0x3a: {  	_ = 	snop  }
0x3b: {  	[tilespmem:s26], [sflag:$0x1] =	stream.indirect.gather [hbm4b:s5+s22], $0x1, s25, s22, $0xb8;
	[tilespmem:$0x2FA0] =	vst v63  }
0x3c: {  	_ = 	snop  }
0x3d: {  	[tilespmem:s29], [sflag:$0x1] =	stream.indirect.gather [hbm4b:s5+s22], $0x1, s28, s22, $0xb8;
	[tilespmem:$0x2FA0] =	vst v63  }
0x3e: {  	_ = 	snop  }
0x3f: {  	[tilespmem:s31], [sflag:$0x1] =	stream.indirect.gather [hbm4b:s5+s22], $0x1, s30, s22, $0xb8;
	[tilespmem:$0x2FA0] =	vst v63  }
0x40: {  	_ =	swait.ge [sflag:s3], $0x200  }
0x41: {  	[sflag:s3] =	ssyncset.done $0x0  }
0x42: {  	[sflag:s3] =	ssyncadd.s32 $0xFFFFFE00  }
0x43: {  	_ =	swait.ge [sflag:s3], $0x3E8  }
0x44: {  	[sflag:s3] =	ssyncset.done $0x0  }
0x45: {  	[sflag:s3] =	ssyncadd.s32 $0xFFFFFC18  }
0x46: {  	_ =	swait.ge [sflag:s3], $0x3E8  }
0x47: {  	[sflag:s3] =	ssyncset.done $0x0  }
0x48: {  	[sflag:s3] =	ssyncadd.s32 $0xFFFFFC18  }
0x49: {  	_ =	swait.ge [sflag:s3], $0x3E8  }
0x4a: {  	[sflag:s3] =	ssyncset.done $0x0  }
0x4b: {  	[sflag:s3] =	ssyncadd.s32 $0xFFFFFC18  }
0x4c: {  	_ =	swait.ge [sflag:s3], $0x3E8  }
0x4d: {  	[sflag:s3] =	ssyncset.done $0x0  }
0x4e: {  	s4 =	simm.s32 $0x0;
	[sflag:s3] =	ssyncadd.s32 $0xFFFFFC18  }
0x4f: {  	v0 =	vld [tilespmem:s4+$0xFA0];
	_ =	sdelay $0x7  }
0x50: {  	v1 =	vld.idx.msk [tilespmem:v0+s7+$0x0], $0xffff;
	_ =	sdelay $0x4  }
0x51: {  	[tilespmem:s4+$0x27A0] =	vst v1  }
0x52: {  	v1 =	vld.idx.msk [tilespmem:v0+s17+$0x0], $0xffff;
	_ =	sdelay $0x4  }
0x53: {  	[tilespmem:s4+$0x29A0] =	vst v1  }
0x54: {  	v1 =	vld.idx.msk [tilespmem:v0+s18+$0x0], $0xffff;
	_ =	sdelay $0x3  }
0x55: {  	s14 =	simm.s32 $0x80;
	s15 =	simm.s32 $0x10  }
.LBB2_4:
0x56: {  	p0 =	sne.s32 s14, $0x7C0;
	v2 =	vld [tilespmem:s15+$0xFA0];
	[tilespmem:s4+$0x2BA0] =	vst v1  }
0x57: {  	v1 =	vld.idx.msk [tilespmem:v0+s19+$0x0], $0xffff;
	_ =	sdelay $0x3  }
0x58: {  	v0 =	vmov v2;
	_ =	sdelay $0x1  }
0x59: {  	[tilespmem:s4+$0x2DA0] =	vst v1;
	s4 =	smov.u32 s15  }
0x5a: {  	v1 =	vld.idx.msk [tilespmem:v2+s7+$0x0], $0xffff;
	_ =	sdelay $0x5  }
0x5b: {  	[tilespmem:s4+$0x27A0] =	vst v1  }
0x5c: {  	v1 =	vld.idx.msk [tilespmem:v2+s17+$0x0], $0xffff;
	_ =	sdelay $0x5  }
0x5d: {  	[tilespmem:s4+$0x29A0] =	vst v1  }
0x5e: {  	v1 =	vld.idx.msk [tilespmem:v2+s18+$0x0], $0xffff  }
.Ltmp1:
0x5f: {  	(pc) =	sbr.rel @p0 .LBB2_4-.Ltmp1, $2  }
0x60: {  	_ =	sdelay $0x2  }
0x61: {  	s15 =	sshra.s32 s14, $0x2;
	s14 =	sadd.s32 $0x40, s14  }
0x62: {  	_ =	sdelay $0x1  }
0x63: {  	v2 =	vld [tilespmem:s15+$0xFA0]  }
0x64: {  	[tilespmem:s4+$0x2BA0] =	vst v1  }
0x65: {  	v0 =	vld.idx.msk [tilespmem:v0+s19+$0x0], $0xffff;
	_ =	sdelay $0x4  }
0x66: {  	[tilespmem:s4+$0x2DA0] =	vst v0  }
0x67: {  	v0 =	vld.idx.msk [tilespmem:v2+s7+$0x0], $0xffff;
	_ =	sdelay $0x4  }
0x68: {  	[tilespmem:s15+$0x27A0] =	vst v0  }
0x69: {  	v0 =	vld.idx.msk [tilespmem:v2+s17+$0x0], $0xffff;
	_ =	sdelay $0x4  }
0x6a: {  	[tilespmem:s15+$0x29A0] =	vst v0  }
0x6b: {  	v0 =	vld.idx.msk [tilespmem:v2+s18+$0x0], $0xffff;
	_ =	sdelay $0x4  }
0x6c: {  	[tilespmem:s15+$0x2BA0] =	vst v0  }
0x6d: {  	v0 =	vld.idx.msk [tilespmem:v2+s19+$0x0], $0xffff;
	_ =	sdelay $0x4  }
0x6e: {  	[tilespmem:s15+$0x2DA0] =	vst v0  }
0x6f: {  	_ =	swait.ge [sflag:s6], $0x200  }
0x70: {  	[sflag:s6] =	ssyncset.done $0x0  }
0x71: {  	[sflag:s6] =	ssyncadd.s32 $0xFFFFFE00  }
0x72: {  	_ =	swait.ge [sflag:s6], $0x200  }
0x73: {  	[sflag:s6] =	ssyncset.done $0x0  }
0x74: {  	[sflag:s6] =	ssyncadd.s32 $0xFFFFFE00  }
0x75: {  	_ =	swait.ge [sflag:s6], $0x200  }
0x76: {  	[sflag:s6] =	ssyncset.done $0x0  }
0x77: {  	[sflag:s6] =	ssyncadd.s32 $0xFFFFFE00  }
0x78: {  	_ =	swait.ge [sflag:s6], $0x200  }
0x79: {  	[sflag:s6] =	ssyncset.done $0x0  }
0x7a: {  	s4 =	simm.s32 $0x0;
	[sflag:s6] =	ssyncadd.s32 $0xFFFFFE00  }
0x7b: {  	v0 =	vld [tilespmem:s4+$0x1FA0]  }
0x7c: {  	v1 =	vld [tilespmem:s4+$0x21A0]  }
0x7d: {  	s14 =	simm.s32 $0x40;
	v2 =	vld [tilespmem:s4+$0x27A0]  }
.LBB2_6:
0x7e: {  	p0 =	sne.s32 s14, $0x7C0;
	v3 =	vld [tilespmem:s4+$0x29A0];
	_ =	sdelay $0x3  }
0x7f: {  	v0 =	vadd.f32 v0, v2  }
0x80: {  	v1 =	vsub.f32 v1, v3  }
0x81: {  	v0 =	vsub.f32 $0.0e+00, v0  }
0x82: {  	v1 =	vadd.f32 $0.0e+00, v1  }
0x83: {  	v0 =	vmul.f32 $1.442695020e+00, v0  }
0x84: {  	v1 =	vmul.f32 $1.442695020e+00, v1  }
0x85: {  	(erf) = vpow2.f32 v0  }
0x86: {  	(erf) = vpow2.f32 v1;
	_ =	sdelay $0x7  }
0x87: {  	v0 =	vpop (erf)  }
0x88: {  	v0 =	vadd.f32 $1.000000000e+00, v0;
	v1 =	vpop (erf)  }
0x89: {  	v1 =	vadd.f32 $1.000000000e+00, v1;
	v2 =	vld [tilespmem:s4+$0x23A0]  }
0x8a: {  	v3 =	vld [tilespmem:s4+$0x25A0];
	(erf) = vrcp.f32 v0  }
0x8b: {  	v0 =	vld [tilespmem:s4+$0x2BA0];
	(erf) = vrcp.f32 v1  }
0x8c: {  	v1 =	vld [tilespmem:s4+$0x2DA0];
	_ =	sdelay $0x3  }
0x8d: {  	v0 =	vadd.f32 v2, v0  }
.Ltmp2:
0x8e: {  	v1 =	vsub.f32 v1, v3;
	(pc) =	sbr.rel @p0 .LBB2_6-.Ltmp2, $4  }
0x8f: {  	s15 =	sshra.s32 s14, $0x2;
	[tilespmem:s4+$0x2BA0] =	vst v0  }
0x90: {  	v0 =	vld [tilespmem:s15+$0x1FA0];
	[tilespmem:s4+$0x2DA0] =	vst v1;
	v2 =	vpop (erf)  }
0x91: {  	v1 =	vld [tilespmem:s15+$0x21A0];
	[tilespmem:s4+$0x27A0] =	vst v2;
	v3 =	vpop (erf)  }
0x92: {  	s14 =	sadd.s32 $0x40, s14;
	v2 =	vld [tilespmem:s15+$0x27A0];
	[tilespmem:s4+$0x29A0] =	vst v3;
	s4 =	smov.u32 s15  }
0x93: {  	v3 =	vld [tilespmem:s4+$0x29A0];
	_ =	sdelay $0x3  }
0x94: {  	v0 =	vadd.f32 v0, v2  }
0x95: {  	v1 =	vsub.f32 v1, v3  }
0x96: {  	v0 =	vsub.f32 $0.0e+00, v0  }
0x97: {  	v1 =	vadd.f32 $0.0e+00, v1  }
0x98: {  	v0 =	vmul.f32 $1.442695020e+00, v0  }
0x99: {  	v1 =	vmul.f32 $1.442695020e+00, v1  }
0x9a: {  	(erf) = vpow2.f32 v0  }
0x9b: {  	(erf) = vpow2.f32 v1;
	_ =	sdelay $0x7  }
0x9c: {  	v0 =	vpop (erf)  }
0x9d: {  	v0 =	vadd.f32 $1.000000000e+00, v0;
	v1 =	vpop (erf)  }
0x9e: {  	v58 =	vld [tilespmem:s4+$0x23A0];
	v1 =	vadd.f32 $1.000000000e+00, v1  }
0x9f: {  	v59 =	vld [tilespmem:s4+$0x25A0];
	(erf) = vrcp.f32 v0  }
0xa0: {  	v60 =	vld [tilespmem:s4+$0x2BA0];
	(erf) = vrcp.f32 v1  }
0xa1: {  	v61 =	vld [tilespmem:s4+$0x2DA0];
	_ =	sdelay $0x3  }
0xa2: {  	v0 =	vadd.f32 v58, v60  }
0xa3: {  	v1 =	vsub.f32 v61, v59  }
0xa4: {  	[tilespmem:s4+$0x2BA0] =	vst v0  }
0xa5: {  	[tilespmem:s4+$0x2DA0] =	vst v1;
	v62 =	vpop (erf)  }
0xa6: {  	[tilespmem:s4+$0x27A0] =	vst v62;
	v63 =	vpop (erf)  }
0xa7: {  	s2 =	sadd.s32 $0x1, s2;
	[tilespmem:s4+$0x29A0] =	vst v63  }
0xa8: {  	[hbm4b:s12+s7] =	stream.linear.scatter [tilespmem:s0], [sflag:$0x4], $0x800, $0x38;
	[tilespmem:$0x2FA0] =	vst v63  }
0xa9: {  	p0 =	sne.s32 s2, s13;
	_ =	swait.ge [sflag:s1], $0x800  }
.Ltmp3:
0xaa: {  	[sflag:s1] =	ssyncset.done $0x0;
	(pc) =	sbr.rel @p0 .LBB2_1-.Ltmp3, $4  }
0xab: {  	[sflag:s1] =	ssyncadd.s32 $0xFFFFF800  }
0xac: {  	_ =	swait.ge [sflag:s20], $0x200  }
0xad: {  	[sflag:s20] =	ssyncset.done $0x0  }
0xae: {  	[sflag:s20] =	ssyncadd.s32 $0xFFFFFE00  }
0xaf: {  	_ =	sfence.sel $0x180000  }
0xb0: {  	[bflag:$0x0] =	sbarrier.arrive $0xFFFF  }
0xb1: {  	_ =	strace $0x90000047  }
0xb2: {  	s0 =	stileid.u32;
	[bflag:$0x2] =	sbarrier.arrive $0xFFFF  }
0xb3: {  	p0 =	sne.s32 s0, $0x0;
	s0 =	rddreg [dreg:$0x9]  }
0xb4: {  	s0 =	sadd.s32 @!p0 $0x100000, s0  }
0xb5: {  	[sflag:s0] =	ssyncadd.tile.s32 @!p0 $0x1;
	_ =	shalt  }
.Lfunc_end2:
_tile_overlayer_lowered:
.L_overlay_start_2:
0xb6: {  	(tag) =	ssettag $0x2  }
0xb7: {  	s0 =	rddreg [dreg:$0x0];
	s2 =	stileid.u32  }
0xb8: {  	s1 =	rddreg [dreg:$0x1];
	p0 =	sne.s32 s2, $0x0  }
0xb9: {  	s3 =	rddreg [dreg:$0x2];
	[bflag:$0x3] =	sbarrier.arrive $0xFFFF;
	s2 =	simm.s32 @!p0 $0x1C04  }
0xba: {  	[timem:s3], [sflag:s2] =	dma.local @!p0 [hbm:s0], s1  }
0xbb: {  	s0 =	simm.s32 @!p0 $0x4  }
0xbc: {  	_ =	swait.ge @!p0 [sflag:s0], s1  }
0xbd: {  	s1 =	ssub.s32 @!p0 $0x0, s1;
	[sflag:s0] =	ssyncset.done @!p0 $0x0  }
0xbe: {  	[sflag:s0] =	ssyncadd.s32 @!p0 s1  }
0xbf: {  	[bflag:$0x3] =	sbarrier.arrive $0xFFFF  }
0xc0: {  	_ =	shalt  }

// kernel: bkt_irt_b.3.cloned.1.call-start
scs
__scs_entry_jumppad:
0x0: {  	(pc) =	sbr.rel $0x88, $3  }
0x1: {  	(tag) =	ssettag $0x0;
	lr =	simm.s32 $0x1  }
0x2: {  	[smem:$0x3F94] =	sst lr;
	_ =	strace $0xD0000000  }
0x3: {  	_ = 	snop  }
0x4: {  	_ = 	snop  }
0x5: {  	_ = 	snop  }
0x6: {  	_ = 	snop  }
0x7: {  	_ = 	snop  }
__scs_overlays_trampoline_lowered:
0x8: {  	[smem:$0x3FA3] =	sst s0  }
0x9: {  	[smem:$0x3FA4] =	sst s1  }
0xa: {  	[smem:$0x3FA5] =	sst s2  }
0xb: {  	[smem:$0x3FA6] =	sst s3  }
0xc: {  	[smem:$0x3FA7] =	sst s4  }
0xd: {  	[smem:$0x3FA8] =	sst s5  }
0xe: {  	[smem:$0x3FA9] =	sst s6  }
0xf: {  	[smem:$0x3FAA] =	sst s7  }
0x10: {  	[smem:$0x3FAB] =	sst s8  }
0x11: {  	[smem:$0x3FAC] =	sst s9;
	s0 =	simm.s32 @!p0 $0x0  }
0x12: {  	s1 =	sld [smem:$0x3F92];
	s0 =	simm.s32 @p0 $0x1  }
0x13: {  	[smem:$0x3FAD] =	sst s0;
	s0 =	simm.s32 @!p1 $0x0  }
0x14: {  	s2 =	sld [smem:$0x3F91];
	s0 =	simm.s32 @p1 $0x1  }
0x15: {  	[smem:$0x3FAE] =	sst s0;
	s0 =	simm.s32 @!p2 $0x0  }
0x16: {  	s3 =	sld [smem:$0x3FDB];
	s0 =	simm.s32 @p2 $0x1  }
0x17: {  	s4 =	simm.s32 $0x1BF5;
	[smem:$0x3FB0] =	sst s0  }
0x18: {  	s0 =	sld [smem:$0x3F93];
	_ =	swait.ge [sflag:s4], $0x0  }
0x19: {  	s7 =	sld [smem:$0x3F94]  }
0x1a: {  	s8 =	sadd.s32 $0xFFFFE003, lr  }
0x1b: {  	s9 =	sadd.s32 $0xFFFFFEF7, lr;
	s5 =	simm.s32 $0xFFFFFFFF;
	p2 =	slt.u32 s8, $0xFFFFF086  }
0x1c: {  	p1 =	slt.u32 s9, $0xF7A;
	s5 =	simm.s32 @!p2 $0x0  }
0x1d: {  	s5 =	simm.s32 @p1 $0x1;
	p0 =	seq.s32 s7, s2  }
0x1e: {  	s7 =	smul.u32 @!p0 $0xF7A, s2;
	p2 =	seq.s32 @!p0 s5, $0x0  }
0x1f: {  	s9 =	smul.u32 $0xF7A, s1;
	s8 =	simm.s32 @!p0 $0x1BF5;
	p2 =	por !p2, p0  }
0x20: {  	[sflag:s8] =	ssyncset.s32 @!p0 $0xFFFFF086;
	s6 =	sadd.s32 @!p0 s3, s7;
	s7 =	simm.s32 @!p0 $0x108  }
0x21: {  	s3 =	sadd.s32 s3, s9;
	s6 =	sadd.s32 @!p0 $0x88, s6;
	s7 =	simm.s32 @p2 $0x1082  }
0x22: {  	[simem:s7], [sflag:s8] =	dma.local @!p0 [hbm:s6], $0xF7A  }
0x23: {  	s9 =	sor.u32 $0xD0000000, s2;
	s6 =	simm.s32 $0x108;
	_ =	swait.ge @!p0 [sflag:s8], $0x0  }
0x24: {  	s3 =	sadd.s32 $0x88, s3;
	s6 =	simm.s32 @!p1 $0x1082;
	[sflag:s4] =	ssyncset.s32 $0xFFFFF086  }
0x25: {  	[simem:s6], [sflag:s4] =	dma.local [hbm:s3], $0xF7A  }
0x26: {  	[smem:$0x3F94] =	sst s1;
	(tag) =	ssettag s2;
	_ =	strace s9  }
0x27: {  	s1 =	sld [smem:$0x3FA4]  }
0x28: {  	s2 =	sld [smem:$0x3FA5]  }
0x29: {  	s4 =	sld [smem:$0x3FA7]  }
0x2a: {  	p0 =	seq.s32 s5, $0x0;
	s5 =	sld [smem:$0x3FA8]  }
0x2b: {  	s6 =	sld [smem:$0x3FA9]  }
0x2c: {  	s7 =	sld [smem:$0x3FAA]  }
0x2d: {  	s3 =	simm.s32 $0x108;
	s8 =	sld [smem:$0x3FAB]  }
0x2e: {  	s3 =	simm.s32 @!p0 $0x1082;
	s9 =	sld [smem:$0x3FAC]  }
0x2f: {  	lr =	sadd.s32 s0, s3;
	s0 =	sld [smem:$0x3FA3]  }
0x30: {  	s3 =	sld [smem:$0x3FA6]  }
0x31: {  	[smem:$0x3FAF] =	sst s10  }
0x32: {  	s10 =	sld [smem:$0x3FAD];
	_ =	sdelay $0x3  }
0x33: {  	p0 =	seq.s32 s10, $0x1;
	s10 =	sld [smem:$0x3FAF];
	_ =	sdelay $0x3  }
0x34: {  	[smem:$0x3FAF] =	sst s10  }
0x35: {  	s10 =	sld [smem:$0x3FAE];
	_ =	sdelay $0x3  }
0x36: {  	p1 =	seq.s32 s10, $0x1;
	s10 =	sld [smem:$0x3FAF];
	_ =	sdelay $0x3  }
0x37: {  	[smem:$0x3FAF] =	sst s10  }
0x38: {  	s10 =	sld [smem:$0x3FB0]  }
0x39: {  	_ = 	snop;
	(pc) =	sbr.ind lr, $3  }
0x3a: {  	_ = 	snop  }
0x3b: {  	_ = 	snop  }
0x3c: {  	p2 =	seq.s32 s10, $0x1;
	s10 =	sld [smem:$0x3FAF]  }
0x3d: {  	_ =	shalt  }
0x3e: {  	_ =	shalt  }
0x3f: {  	_ =	shalt  }
0x40: {  	_ =	shalt  }
0x41: {  	_ =	shalt  }
0x42: {  	_ =	shalt  }
0x43: {  	_ =	shalt  }
0x44: {  	_ =	shalt  }
0x45: {  	_ =	shalt  }
0x46: {  	_ =	shalt  }
0x47: {  	_ =	shalt  }
0x48: {  	_ =	shalt  }
0x49: {  	_ =	shalt  }
0x4a: {  	_ =	shalt  }
0x4b: {  	_ =	shalt  }
0x4c: {  	_ =	shalt  }
0x4d: {  	_ =	shalt  }
0x4e: {  	_ =	shalt  }
0x4f: {  	_ =	shalt  }
0x50: {  	_ =	shalt  }
0x51: {  	_ =	shalt  }
0x52: {  	_ =	shalt  }
0x53: {  	_ =	shalt  }
0x54: {  	_ =	shalt  }
0x55: {  	_ =	shalt  }
0x56: {  	_ =	shalt  }
0x57: {  	_ =	shalt  }
0x58: {  	_ =	shalt  }
0x59: {  	_ =	shalt  }
0x5a: {  	_ =	shalt  }
0x5b: {  	_ =	shalt  }
0x5c: {  	_ =	shalt  }
0x5d: {  	_ =	shalt  }
0x5e: {  	_ =	shalt  }
0x5f: {  	_ =	shalt  }
0x60: {  	_ =	shalt  }
0x61: {  	_ =	shalt  }
0x62: {  	_ =	shalt  }
0x63: {  	_ =	shalt  }
0x64: {  	_ =	shalt  }
0x65: {  	_ =	shalt  }
0x66: {  	_ =	shalt  }
0x67: {  	_ =	shalt  }
0x68: {  	_ =	shalt  }
0x69: {  	_ =	shalt  }
0x6a: {  	_ =	shalt  }
0x6b: {  	_ =	shalt  }
0x6c: {  	_ =	shalt  }
0x6d: {  	_ =	shalt  }
0x6e: {  	_ =	shalt  }
0x6f: {  	_ =	shalt  }
0x70: {  	_ =	shalt  }
0x71: {  	_ =	shalt  }
0x72: {  	_ =	shalt  }
0x73: {  	_ =	shalt  }
0x74: {  	_ =	shalt  }
0x75: {  	_ =	shalt  }
0x76: {  	_ =	shalt  }
0x77: {  	_ =	shalt  }
0x78: {  	_ =	shalt  }
0x79: {  	_ =	shalt  }
0x7a: {  	_ =	shalt  }
0x7b: {  	_ =	shalt  }
0x7c: {  	_ =	shalt  }
0x7d: {  	_ =	shalt  }
0x7e: {  	_ =	shalt  }
0x7f: {  	_ =	shalt  }
0x80: {  	_ =	shalt  }
0x81: {  	_ =	shalt  }
0x82: {  	_ =	shalt  }
0x83: {  	_ =	shalt  }
0x84: {  	_ =	shalt  }
0x85: {  	_ =	shalt  }
0x86: {  	_ =	shalt  }
0x87: {  	_ =	shalt  }
.Lfunc_end0:
.L_simem_size_0:
called_computation.1_lowered:
.L_overlay_start_0:
0x88: {  	s2 =	sld [smem:$0x3FD9]  }
0x89: {  	s3 =	sld [smem:$0x3FFE];
	_ =	sdelay $0x1  }
0x8a: {  	s1 =	srdreg.scid  }
0x8b: {  	s0 =	sand.u32 $0x1, s1  }
0x8c: {  	s14 =	sshll.u32 s0, $0xA;
	s2 =	sadd.s32 s3, s2  }
0x8d: {  	s2 =	sadd.s32 s2, s14  }
0x8e: {  	[smem:$0x3FBB] =	sst s2  }
0x8f: {  	_ = 	snop  }
0x90: {  	s2 =	sld [smem:$0x3FC9]  }
0x91: {  	s15 =	sld [smem:$0x3FC8]  }
0x92: {  	s4 =	sld [smem:$0x3FC3]  }
0x93: {  	s5 =	sld [smem:$0x3FD0]  }
0x94: {  	s6 =	sld [smem:$0x3FC2]  }
0x95: {  	s7 =	sld [smem:$0x3FC1]  }
0x96: {  	s9 =	simm.s32 $0xA;
	s10 =	simm.s32 $0x10;
	s8 =	sld [smem:$0x3FBE]  }
0x97: {  	[smem:s10], [sflag:s9] =	dma.local [hbm:s5], $0x1  }
0x98: {  	_ =	swait.eq [sflag:s9], $0x1  }
0x99: {  	[sflag:s9] =	ssyncset.done $0x0  }
0x9a: {  	s16 =	sld [smem:$0x10];
	[sflag:s9] =	ssyncadd.s32 $0xFFFFFFFF  }
0x9b: {  	s17 =	sld [smem:$0x11];
	(tm) =	ssettm $0x1  }
0x9c: {  	s18 =	sld [smem:$0x3FFB];
	_ =	sdelay $0x3  }
0x9d: {  	_ =	strace s18  }
0x9e: {  	s10 =	sld [smem:$0x3FFC];
	_ =	sdelay $0x3  }
0x9f: {  	_ =	strace s10  }
0xa0: {  	s10 =	sld [smem:$0x3FFD];
	_ =	sdelay $0x3  }
0xa1: {  	_ =	strace s10  }
0xa2: {  	_ =	strace $0x8FFFFFFF  }
0xa3: {  	s19 =	sld [smem:$0x3FDB];
	_ =	sdelay $0x1  }
0xa4: {  	s11 =	simm.s32 $_scs_section_size  }
0xa5: {  	s12 =	simm.s32 $_size__tile_overlayer_lowered;
	s13 =	simm.s32 $_tile_overlayer_lowered  }
0xa6: {  	s22 =	simm.s32 $0x1BFF;
	s21 =	sshll.u32 s13, $0x1;
	s10 =	sadd.s32 s11, s19  }
0xa7: {  	s20 =	sshll.u32 s12, $0x1;
	s14 =	simm.s32 $0x0;
	s12 =	sadd.s32 s21, s10  }
0xa8: {  	[timem:s14], [sflag:s22] =	dma.local [hbm:s12], s20  }
0xa9: {  	_ =	swait.ge [sflag:s22], s20  }
0xaa: {  	s11 =	ssub.s32 $0x0, s20;
	[sflag:s22] =	ssyncset.done $0x0  }
0xab: {  	[sflag:s22] =	ssyncadd.s32 s11;
	_ =	sdelay $0x1  }
0xac: {  	s23 =	simm.s32 $0x1B8B  }
0xad: {  	_ =	swait.ge [sflag:s23], $0x1  }
0xae: {  	[sflag:s23] =	ssyncset.done $0x0  }
0xaf: {  	s25 =	simm.s32 $0x1B8E;
	s24 =	sld [smem:$0x3FFE];
	[sflag:s23] =	ssyncadd.s32 $0xFFFFFFFF  }
0xb0: {  	s26 =	simm.s32 $execute0_lowered;
	[smem:$0x3FD2] =	sst s25  }
0xb1: {  	s12 =	sshll.u32 s26, $0x1;
	_ =	strace $0x80000049;
	[dreg:$0x1] =	wrdreg $0xFFFFFFFF  }
0xb2: {  	s28 =	simm.s32 $_size_execute0_lowered;
	s10 =	sadd.s32 s10, s12;
	[dreg:$0x0] =	wrdreg $0x0  }
0xb3: {  	s12 =	sshll.u32 s28, $0x1;
	[dreg:$0x2] =	wrdreg s10  }
0xb4: {  	[dreg:$0x3] =	wrdreg s12  }
0xb5: {  	[dreg:$0x4] =	wrdreg $0xC0  }
0xb6: {  	_ =	task [dreg:s14], $0x5FFFF  }
0xb7: {  	[dreg:$0x1] =	wrdreg $0xFFFFFFFF  }
0xb8: {  	[dreg:$0x0] =	wrdreg $0x60  }
0xb9: {  	[dreg:$0x2] =	wrdreg s2  }
0xba: {  	[dreg:$0x3] =	wrdreg s15  }
0xbb: {  	[dreg:$0x4] =	wrdreg s4  }
0xbc: {  	[dreg:$0x5] =	wrdreg s6  }
0xbd: {  	[dreg:$0x6] =	wrdreg s7  }
0xbe: {  	[dreg:$0x7] =	wrdreg s24  }
0xbf: {  	[dreg:$0x8] =	wrdreg s8  }
0xc0: {  	[dreg:$0x9] =	wrdreg s16  }
0xc1: {  	[dreg:$0xa] =	wrdreg s17  }
0xc2: {  	[dreg:$0xb] =	wrdreg $0x9  }
0xc3: {  	_ =	task.clear_ibuf [dreg:s14], $0xCFFFF;
	_ =	strace $0x90000049  }
0xc4: {  	s29 =	simm.s32 $0x9;
	_ =	strace $0x8000004B  }
0xc5: {  	_ =	swait.ge [sflag:s29], $0x1  }
0xc6: {  	[sflag:s29] =	ssyncadd.s32 $0xFFFFFFFF  }
0xc7: {  	_ =	strace $0x9000004B  }
0xc8: {  	_ =	sfence  }
0xc9: {  	s30 =	sld [smem:$0x0];
	_ =	sdelay $0x2  }
0xca: {  	s31 =	sshll.u32 s1, $0xD;
	s1 =	sshrl.u32 s1, $0x2  }
0xcb: {  	s3 =	sand.u32 $0x4000, s31;
	s1 =	sadd.s32 s1, s30  }
0xcc: {  	s0 =	sor.u32 s3, s0;
	s1 =	sshll.u32 s1, $0x11  }
0xcd: {  	s0 =	sor.u32 s1, s0  }
0xce: {  	s0 =	sadd.s32 $0x8F2B, s0  }
0xcf: {  	[sflag:s0] =	ssyncadd.remote.s32 $0x1  }
0xd0: {  	_ =	sfence.sel $0xFFFF  }
0xd1: {  	[dreg:$0x0] =	wrdreg $0xFFFFFFFF;
	(pc) =	sbr.abs _section_cstart, $3  }
0xd2: {  	[dreg:$0x1] =	wrdreg $0xFFFFFFFF  }
0xd3: {  	_ =	task.clear_ibuf [dreg:s14], $0x2FFFF;
	_ =	strace $0x9FFFFFFF  }
0xd4: {  	(tm) =	ssettm $0x7FFFFFFF  }
0xd5: {  	_ =	shalt  }
tec
execute0_lowered:
.L_overlay_start_1:
0x0: {  	(tag) =	ssettag $0x1  }
0x1: {  	s0 =	rddreg [dreg:$0x0]  }
0x2: {  	s1 =	rddreg [dreg:$0x1]  }
0x3: {  	s3 =	rddreg [dreg:$0x4]  }
0x4: {  	s4 =	rddreg [dreg:$0x5]  }
0x5: {  	s7 =	rddreg [dreg:$0x6]  }
0x6: {  	s11 =	rddreg [dreg:$0x7]  }
0x7: {  	s12 =	rddreg [dreg:$0x8];
	s5 =	simm.s32 $0x0;
	s6 =	srdreg.scid  }
0x8: {  	s2 =	stileid.u32;
	s16 =	simm.s32 $0x1880;
	s17 =	simm.s32 $0x800  }
0x9: {  	s18 =	simm.s32 $0x1000;
	s19 =	simm.s32 $0x2;
	s20 =	simm.s32 $0x400  }
0xa: {  	s21 =	simm.s32 $0x600;
	s22 =	simm.s32 $0x3;
	s23 =	simm.s32 $0x1  }
0xb: {  	s24 =	simm.s32 $0x1A80;
	s25 =	simm.s32 $0x4;
	s26 =	simm.s32 $0x1E80  }
0xc: {  	[smem:$0x7FF] =	sst s5;
	s6 =	sand.u32 $0x1, s6;
	s8 =	sshll.u32 s2, $0x1  }
0xd: {  	s28 =	simm.s32 $0x0;
	_ =	strace $0x8000004A;
	s8 =	sor.u32 s6, s8  }
0xe: {  	s6 =	ssub.s32 $0x2, s6;
	s13 =	sshll.u32 s8, $0x6;
	s9 =	sshll.u32 s8, $0x8  }
0xf: {  	s31 =	sshrl.u32 s6, $0x1;
	s15 =	sshll.u32 s8, $0x7;
	s10 =	sadd.s32 s13, s4  }
0x10: {  	s4 =	sadd.s32 s9, s4;
	s14 =	ssub.s32 s6, s31;
	s7 =	sadd.s32 s7, s13  }
0x11: {  	s8 =	sadd.s32 s0, s15;
	s9 =	sadd.s32 s1, s13;
	s11 =	sadd.s32 s11, s15  }
0x12: {  	s12 =	sadd.s32 s12, s13;
	s15 =	simm.s32 $0x1480;
	s6 =	sadd.s32 $0x1000, s10  }
0x13: {  	s10 =	sadd.s32 $0x1800, s4;
	s13 =	smax.u32 s14, $0x1;
	s14 =	simm.s32 $0x200  }
.LBB2_1:
0x14: {  	[tilespmem:s14], [sflag:$0x2] =	stream.linear.gather [hbm4b:s6+s5], $0x200, $0x38;
	[tilespmem:$0x2080] =	vst v63  }
0x15: {  	_ = 	snop  }
0x16: {  	[tilespmem:s5], [sflag:$0x3] =	stream.linear.gather [hbm4b:s7+s5], $0x200, $0x38;
	[tilespmem:$0x2080] =	vst v63  }
0x17: {  	_ = 	snop  }
0x18: {  	[tilespmem:s15], [sflag:$0x3] =	stream.linear.gather [hbm4b:s8+s5], $0x400, $0x38;
	[tilespmem:$0x2080] =	vst v63  }
0x19: {  	_ = 	snop  }
0x1a: {  	[tilespmem:s16], [sflag:$0x3] =	stream.linear.gather [hbm4b:s9+s5], $0x200, $0x38;
	[tilespmem:$0x2080] =	vst v63  }
0x1b: {  	_ = 	snop  }
0x1c: {  	[tilespmem:s17], [sflag:$0x3] =	stream.linear.gather [hbm4b:s10+s5], $0x800, $0x38;
	[tilespmem:$0x2080] =	vst v63  }
0x1d: {  	_ = 	snop  }
0x1e: {  	[tilespmem:s18], [sflag:$0x3] =	stream.linear.gather [hbm4b:s3+s5], $0x480, $0x38;
	[tilespmem:$0x2080] =	vst v63  }
0x1f: {  	_ =	swait.ge [sflag:s19], $0x200  }
0x20: {  	[sflag:s19] =	ssyncset.done $0x0  }
0x21: {  	[sflag:s19] =	ssyncadd.s32 $0xFFFFFE00  }
0x22: {  	s0 =	rddreg [dreg:$0x2]  }
0x23: {  	[tilespmem:s20], [sflag:$0x1] =	stream.indirect.gather [hbm4b:s0+s14], $0x1, s14, s14, $0xb8;
	[tilespmem:$0x2080] =	vst v63  }
0x24: {  	s2 =	rddreg [dreg:$0x3]  }
0x25: {  	[tilespmem:s21], [sflag:$0x1] =	stream.indirect.gather [hbm4b:s2+s14], $0x1, s14, s14, $0xb8;
	[tilespmem:$0x2080] =	vst v63  }
0x26: {  	_ =	swait.ge [sflag:s22], $0x200  }
0x27: {  	[sflag:s22] =	ssyncset.done $0x0  }
0x28: {  	[sflag:s22] =	ssyncadd.s32 $0xFFFFFE00  }
0x29: {  	_ =	swait.ge [sflag:s22], $0x400  }
0x2a: {  	[sflag:s22] =	ssyncset.done $0x0  }
0x2b: {  	[sflag:s22] =	ssyncadd.s32 $0xFFFFFC00  }
0x2c: {  	_ =	swait.ge [sflag:s22], $0x200  }
0x2d: {  	[sflag:s22] =	ssyncset.done $0x0  }
0x2e: {  	[sflag:s22] =	ssyncadd.s32 $0xFFFFFE00  }
0x2f: {  	_ =	swait.ge [sflag:s22], $0x800  }
0x30: {  	[sflag:s22] =	ssyncset.done $0x0  }
0x31: {  	[sflag:s22] =	ssyncadd.s32 $0xFFFFF800  }
0x32: {  	_ =	swait.ge [sflag:s22], $0x480  }
0x33: {  	[sflag:s22] =	ssyncset.done $0x0  }
0x34: {  	[sflag:s22] =	ssyncadd.s32 $0xFFFFFB80  }
0x35: {  	_ =	swait.ge [sflag:s23], $0x200  }
0x36: {  	[sflag:s23] =	ssyncset.done $0x0  }
0x37: {  	[sflag:s23] =	ssyncadd.s32 $0xFFFFFE00  }
0x38: {  	_ =	swait.ge [sflag:s23], $0x200  }
0x39: {  	[sflag:s23] =	ssyncset.done $0x0  }
0x3a: {  	s29 =	simm.s32 $0x0;
	[sflag:s23] =	ssyncadd.s32 $0xFFFFFE00  }
0x3b: {  	v0 =	vld [tilespmem:s29+$0x0];
	_ =	sdelay $0x4  }
0x3c: {  	v1 =	vadd.s32 $0xFFF0C000, v0  }
0x3d: {  	vm0 =	vgt.s32 v1, $0x0  }
0x3e: {  	v1 =	vnsel vm0, $0x0, v1  }
0x3f: {  	v2 =	vadd.s32 $0x240, v1  }
0x40: {  	v3 =	vld [tilespmem:s29+$0x400]  }
0x41: {  	v4 =	vld [tilespmem:s29+$0x600]  }
0x42: {  	v5 =	vld [tilespmem:s29+$0xC00]  }
0x43: {  	v1 =	vld.idx.msk [tilespmem:v1+s18+$0x0], $0xffff  }
0x44: {  	v2 =	vld.idx.msk [tilespmem:v2+s18+$0x0], $0xffff  }
0x45: {  	v6 =	vld [tilespmem:s29+$0xE00];
	_ =	sdelay $0x1  }
0x46: {  	vm14 =	vgt.s32 v0, $0xF3FFF  }
0x47: {  	v0 =	vsel vm14, v1, v3  }
0x48: {  	v1 =	vsel vm14, v2, v4;
	v0 =	vadd.f32 v5, v0  }
0x49: {  	v1 =	vadd.f32 v6, v1  }
0x4a: {  	v0 =	vsub.f32 $0.0e+00, v0  }
0x4b: {  	v1 =	vsub.f32 $0.0e+00, v1  }
0x4c: {  	v0 =	vmul.f32 $1.442695020e+00, v0  }
0x4d: {  	v1 =	vmul.f32 $1.442695020e+00, v1  }
0x4e: {  	(erf) = vpow2.f32 v0  }
0x4f: {  	(erf) = vpow2.f32 v1;
	_ =	sdelay $0x7  }
0x50: {  	v0 =	vpop (erf)  }
0x51: {  	v0 =	vadd.f32 $1.000000000e+00, v0;
	v1 =	vpop (erf)  }
0x52: {  	v1 =	vadd.f32 $1.000000000e+00, v1  }
0x53: {  	(erf) = vrcp.f32 v0  }
0x54: {  	(erf) = vrcp.f32 v1;
	_ =	sdelay $0x3  }
0x55: {  	v3 =	vld [tilespmem:s29+$0xA00]  }
0x56: {  	s4 =	sand.u32 $0x300, s5;
	s1 =	sand.u32 $0x70, s5;
	v1 =	vld [tilespmem:s29+$0x1880]  }
0x57: {  	s0 =	sor.u32 s1, s4;
	v2 =	vld [tilespmem:s29+$0x800]  }
0x58: {  	v4 =	vld [tilespmem:s0+$0x1480]  }
0x59: {  	v5 =	vld [tilespmem:s0+$0x1500];
	v0 =	vpop (erf)  }
0x5a: {  	v6 =	vsub.f32 $1.000000000e+00, v0;
	v7 =	vpop (erf)  }
0x5b: {  	vm15 =	vgt.f32 v1, $5.000000000e-01;
	v1 =	vsub.f32 $1.000000000e+00, v7  }
0x5c: {  	v6 =	vsel vm15, v0, v6  }
0x5d: {  	v7 =	vsel vm15, v1, v7;
	v4 =	vmul.f32 v6, v4;
	v6 =	vsub.f32 $1.000000000e+00, v2  }
0x5e: {  	v5 =	vmul.f32 v7, v5;
	v7 =	vsub.f32 $1.000000000e+00, v3  }
0x5f: {  	v2 =	vmul.f32 v4, v2;
	v4 =	vmul.f32 v4, v6  }
0x60: {  	v6 =	vmul.f32 v5, v7;
	v3 =	vmul.f32 v5, v3;
	_ =	sdelay $0x1  }
0x61: {  	v2 =	vadd.f32 v6, v2;
	v3 =	vadd.f32 v3, v4;
	_ =	sdelay $0x1  }
0x62: {  	v4 =	vadd.f32 v3, v2;
	_ =	sdelay $0x1  }
0x63: {  	v4 =	vadd.f32 $9.999999930e-09, v4;
	_ =	sdelay $0x1  }
0x64: {  	(erf) = vrcp.f32 v4;
	_ =	sdelay $0x7  }
0x65: {  	s30 =	simm.s32 $0x0  }
0x66: {  	s31 =	simm.s32 $0x0;
	s1 =	simm.s32 $0x40;
	s4 =	simm.s32 $0x80;
	v4 =	vpop (erf)  }
.LBB2_2:
0x67: {  	p0 =	sne.s32 s4, $0x7C0;
	v2 =	vmul.f32 v4, v2;
	v3 =	vmul.f32 v4, v3;
	_ =	sdelay $0x1  }
0x68: {  	v1 =	vmul.f32 v2, v1;
	v0 =	vmul.f32 v3, v0;
	[tilespmem:s0+$0x1B00] =	vst v2  }
0x69: {  	s2 =	sshra.s32 s1, $0x2;
	s1 =	smov.u32 s4;
	[tilespmem:s0+$0x1A80] =	vst v3  }
0x6a: {  	v2 =	vld [tilespmem:s2+$0x0];
	v0 =	vadd.f32 v0, v1  }
0x6b: {  	v1 =	vld [tilespmem:s2+$0x400]  }
0x6c: {  	v3 =	vld [tilespmem:s2+$0x600];
	[tilespmem:s29+$0x1E80] =	vst v0;
	s29 =	smov.u32 s2  }
0x6d: {  	v0 =	vld [tilespmem:s29+$0xC00]  }
0x6e: {  	v4 =	vld [tilespmem:s29+$0xE00]  }
0x6f: {  	v5 =	vadd.s32 $0xFFF0C000, v2;
	v6 =	vld [tilespmem:s29+$0x1880]  }
0x70: {  	vm0 =	vgt.s32 v5, $0x0;
	v7 =	vld [tilespmem:s29+$0x800]  }
0x71: {  	v5 =	vnsel vm0, $0x0, v5;
	v8 =	vld [tilespmem:s29+$0xA00]  }
0x72: {  	v9 =	vadd.s32 $0x240, v5;
	_ =	sdelay $0x3  }
0x73: {  	v5 =	vld.idx.msk [tilespmem:v5+s18+$0x0], $0xffff  }
0x74: {  	v9 =	vld.idx.msk [tilespmem:v9+s18+$0x0], $0xffff;
	_ =	sdelay $0x3  }
0x75: {  	vm0 =	vgt.s32 v2, $0xF3FFF  }
0x76: {  	v1 =	vsel vm0, v5, v1  }
0x77: {  	v2 =	vsel vm0, v9, v3;
	v0 =	vadd.f32 v0, v1  }
0x78: {  	v1 =	vadd.f32 v4, v2  }
0x79: {  	v0 =	vsub.f32 $0.0e+00, v0  }
0x7a: {  	v1 =	vsub.f32 $0.0e+00, v1  }
0x7b: {  	v0 =	vmul.f32 $1.442695020e+00, v0  }
0x7c: {  	v1 =	vmul.f32 $1.442695020e+00, v1  }
0x7d: {  	(erf) = vpow2.f32 v0  }
0x7e: {  	(erf) = vpow2.f32 v1;
	_ =	sdelay $0x7  }
0x7f: {  	v0 =	vpop (erf)  }
0x80: {  	v0 =	vadd.f32 $1.000000000e+00, v0;
	v1 =	vpop (erf)  }
0x81: {  	v1 =	vadd.f32 $1.000000000e+00, v1  }
0x82: {  	(erf) = vrcp.f32 v0  }
0x83: {  	(erf) = vrcp.f32 v1;
	_ =	sdelay $0x3  }
0x84: {  	s30 =	sadd.s32 $0x20, s30;
	s31 =	sadd.s32 $0x10, s31  }
0x85: {  	s0 =	sand.u32 $0x300, s30;
	s2 =	sand.u32 $0x70, s31  }
0x86: {  	s0 =	sor.u32 s2, s0  }
0x87: {  	v2 =	vld [tilespmem:s0+$0x1480]  }
0x88: {  	v3 =	vld [tilespmem:s0+$0x1500];
	v0 =	vpop (erf)  }
0x89: {  	v4 =	vsub.f32 $1.000000000e+00, v0;
	v5 =	vpop (erf)  }
0x8a: {  	vm0 =	vgt.f32 v6, $5.000000000e-01;
	v1 =	vsub.f32 $1.000000000e+00, v5  }
0x8b: {  	v4 =	vsel vm0, v0, v4  }
0x8c: {  	v5 =	vsel vm0, v1, v5;
	v2 =	vmul.f32 v4, v2;
	v4 =	vsub.f32 $1.000000000e+00, v7  }
0x8d: {  	v3 =	vmul.f32 v5, v3;
	v5 =	vsub.f32 $1.000000000e+00, v8  }
0x8e: {  	v6 =	vmul.f32 v2, v7;
	v4 =	vmul.f32 v2, v4  }
0x8f: {  	v2 =	vmul.f32 v3, v5;
	v3 =	vmul.f32 v3, v8;
	_ =	sdelay $0x1  }
0x90: {  	v2 =	vadd.f32 v2, v6;
	v3 =	vadd.f32 v3, v4;
	_ =	sdelay $0x1  }
0x91: {  	v4 =	vadd.f32 v3, v2;
	_ =	sdelay $0x1  }
0x92: {  	v4 =	vadd.f32 $9.999999930e-09, v4;
	_ =	sdelay $0x1  }
0x93: {  	(erf) = vrcp.f32 v4;
	_ =	sdelay $0x4  }
.Ltmp0:
0x94: {  	(pc) =	sbr.rel @p0 .LBB2_2-.Ltmp0, $2  }
0x95: {  	_ =	sdelay $0x2  }
0x96: {  	s4 =	sadd.s32 $0x40, s4;
	v4 =	vpop (erf)  }
0x97: {  	v2 =	vmul.f32 v4, v2  }
0x98: {  	v3 =	vmul.f32 v4, v3  }
0x99: {  	[tilespmem:s0+$0x1B00] =	vst v2  }
0x9a: {  	s1 =	sshra.s32 s1, $0x2;
	[tilespmem:s0+$0x1A80] =	vst v3  }
0x9b: {  	v46 =	vld [tilespmem:s1+$0x0];
	_ =	sdelay $0x4  }
0x9c: {  	v5 =	vadd.s32 $0xFFF0C000, v46  }
0x9d: {  	v1 =	vmul.f32 v2, v1;
	v0 =	vmul.f32 v3, v0;
	vm0 =	vgt.s32 v5, $0x0  }
0x9e: {  	v47 =	vnsel vm0, $0x0, v5  }
0x9f: {  	v0 =	vadd.f32 v0, v1;
	v49 =	vadd.s32 $0x240, v47  }
0xa0: {  	v48 =	vld [tilespmem:s1+$0x400]  }
0xa1: {  	v50 =	vld [tilespmem:s1+$0x600];
	[tilespmem:s29+$0x1E80] =	vst v0  }
0xa2: {  	v0 =	vld [tilespmem:s1+$0xC00]  }
0xa3: {  	v2 =	vld.idx.msk [tilespmem:v47+s18+$0x0], $0xffff  }
0xa4: {  	v3 =	vld.idx.msk [tilespmem:v49+s18+$0x0], $0xffff  }
0xa5: {  	v6 =	vld [tilespmem:s1+$0xE00];
	_ =	sdelay $0x1  }
0xa6: {  	vm14 =	vgt.s32 v46, $0xF3FFF  }
0xa7: {  	v1 =	vsel vm14, v2, v48  }
0xa8: {  	v51 =	vsel vm14, v3, v50;
	v0 =	vadd.f32 v0, v1  }
0xa9: {  	v52 =	vadd.f32 v6, v51  }
0xaa: {  	v0 =	vsub.f32 $0.0e+00, v0  }
0xab: {  	v1 =	vsub.f32 $0.0e+00, v52  }
0xac: {  	v0 =	vmul.f32 $1.442695020e+00, v0  }
0xad: {  	v1 =	vmul.f32 $1.442695020e+00, v1  }
0xae: {  	(erf) = vpow2.f32 v0  }
0xaf: {  	(erf) = vpow2.f32 v1;
	_ =	sdelay $0x7  }
0xb0: {  	v0 =	vpop (erf)  }
0xb1: {  	v0 =	vadd.f32 $1.000000000e+00, v0;
	v1 =	vpop (erf)  }
0xb2: {  	v1 =	vadd.f32 $1.000000000e+00, v1  }
0xb3: {  	(erf) = vrcp.f32 v0  }
0xb4: {  	(erf) = vrcp.f32 v1;
	_ =	sdelay $0x3  }
0xb5: {  	s30 =	sadd.s32 $0x20, s30;
	s2 =	sadd.s32 $0x10, s31;
	v53 =	vld [tilespmem:s1+$0x1880]  }
0xb6: {  	s2 =	sand.u32 $0x70, s2;
	s0 =	sand.u32 $0x300, s30;
	v54 =	vld [tilespmem:s1+$0x800]  }
0xb7: {  	s0 =	sor.u32 s2, s0;
	v55 =	vld [tilespmem:s1+$0xA00]  }
0xb8: {  	v56 =	vld [tilespmem:s0+$0x1480]  }
0xb9: {  	v57 =	vld [tilespmem:s0+$0x1500];
	v58 =	vpop (erf)  }
0xba: {  	v59 =	vsub.f32 $1.000000000e+00, v58;
	v7 =	vpop (erf)  }
0xbb: {  	vm15 =	vgt.f32 v53, $5.000000000e-01;
	v60 =	vsub.f32 $1.000000000e+00, v7  }
0xbc: {  	v6 =	vsel vm15, v58, v59  }
0xbd: {  	v61 =	vsub.f32 $1.000000000e+00, v54;
	v7 =	vsel vm15, v60, v7;
	v3 =	vmul.f32 v6, v56  }
0xbe: {  	v62 =	vsub.f32 $1.000000000e+00, v55;
	v4 =	vmul.f32 v7, v57  }
0xbf: {  	v1 =	vmul.f32 v3, v54;
	v3 =	vmul.f32 v3, v61  }
0xc0: {  	v63 =	vmul.f32 v4, v62;
	v2 =	vmul.f32 v4, v55;
	_ =	sdelay $0x1  }
0xc1: {  	v1 =	vadd.f32 v63, v1;
	v2 =	vadd.f32 v2, v3;
	_ =	sdelay $0x1  }
0xc2: {  	v3 =	vadd.f32 v2, v1;
	_ =	sdelay $0x1  }
0xc3: {  	v3 =	vadd.f32 $9.999999930e-09, v3;
	_ =	sdelay $0x1  }
0xc4: {  	(erf) = vrcp.f32 v3;
	_ =	sdelay $0x8  }
0xc5: {  	v3 =	vpop (erf)  }
0xc6: {  	v1 =	vmul.f32 v3, v1;
	v2 =	vmul.f32 v3, v2;
	_ =	sdelay $0x1  }
0xc7: {  	v0 =	vmul.f32 v1, v60;
	v3 =	vmul.f32 v2, v58;
	_ =	sdelay $0x1  }
0xc8: {  	[tilespmem:s0+$0x1B00] =	vst v1;
	v0 =	vadd.f32 v3, v0  }
0xc9: {  	[tilespmem:s0+$0x1A80] =	vst v2  }
0xca: {  	[tilespmem:s1+$0x1E80] =	vst v0  }
0xcb: {  	[hbm4b:s11+s5] =	stream.linear.scatter [tilespmem:s24], [sflag:$0x4], $0x400, $0x38;
	[tilespmem:$0x2080] =	vst v63  }
0xcc: {  	s28 =	sadd.s32 $0x1, s28;
	_ =	swait.ge [sflag:s25], $0x400  }
0xcd: {  	p0 =	sne.s32 s28, s13;
	[sflag:s25] =	ssyncset.done $0x0  }
.Ltmp1:
0xce: {  	[sflag:s25] =	ssyncadd.s32 $0xFFFFFC00;
	(pc) =	sbr.rel @p0 .LBB2_1-.Ltmp1, $4  }
0xcf: {  	[hbm4b:s12+s5] =	stream.linear.scatter [tilespmem:s26], [sflag:$0x4], $0x200, $0x38;
	[tilespmem:$0x2080] =	vst v63  }
0xd0: {  	_ =	swait.ge [sflag:s25], $0x200  }
0xd1: {  	[sflag:s25] =	ssyncset.done $0x0  }
0xd2: {  	[sflag:s25] =	ssyncadd.s32 $0xFFFFFE00  }
0xd3: {  	_ =	sfence.sel $0x180000  }
0xd4: {  	[bflag:$0x0] =	sbarrier.arrive $0xFFFF  }
0xd5: {  	_ =	strace $0x9000004A  }
0xd6: {  	s0 =	stileid.u32;
	[bflag:$0x2] =	sbarrier.arrive $0xFFFF  }
0xd7: {  	p0 =	sne.s32 s0, $0x0;
	s0 =	rddreg [dreg:$0x9]  }
0xd8: {  	s0 =	sadd.s32 @!p0 $0x100000, s0  }
0xd9: {  	[sflag:s0] =	ssyncadd.tile.s32 @!p0 $0x1;
	_ =	shalt  }
.Lfunc_end2:
_tile_overlayer_lowered:
.L_overlay_start_2:
0xda: {  	(tag) =	ssettag $0x2  }
0xdb: {  	s0 =	rddreg [dreg:$0x0];
	s2 =	stileid.u32  }
0xdc: {  	s1 =	rddreg [dreg:$0x1];
	p0 =	sne.s32 s2, $0x0  }
0xdd: {  	s3 =	rddreg [dreg:$0x2];
	[bflag:$0x3] =	sbarrier.arrive $0xFFFF;
	s2 =	simm.s32 @!p0 $0x1C04  }
0xde: {  	[timem:s3], [sflag:s2] =	dma.local @!p0 [hbm:s0], s1  }
0xdf: {  	s0 =	simm.s32 @!p0 $0x4  }
0xe0: {  	_ =	swait.ge @!p0 [sflag:s0], s1  }
0xe1: {  	s1 =	ssub.s32 @!p0 $0x0, s1;
	[sflag:s0] =	ssyncset.done @!p0 $0x0  }
0xe2: {  	[sflag:s0] =	ssyncadd.s32 @!p0 s1  }
0xe3: {  	[bflag:$0x3] =	sbarrier.arrive $0xFFFF  }
0xe4: {  	_ =	shalt  }

</sc_bundles>
